<compile_context>
chip_gen: v7x
topology: tpu7x:2x2x1
jax: 0.10.2.dev20260603
libtpu: 0.0.44.dev20260713+nightly
codegen_flags: <defaults>
</compile_context>

<pallas_src>
import functools
import math

import jax
import jax.numpy as jnp
from jax import lax
from jax.experimental import pallas as pl
from jax.experimental.pallas import tpu as pltpu
from jax.experimental.pallas import tpu_sc as plsc

_SPARSITY = 0.05
_L = 16
_INT_MIN = -2147483648


def _splat(v, dtype=jnp.int32):
    return jnp.full((_L,), v, dtype=dtype)


def _to_key(i):
    return jnp.where(i < 0, i ^ jnp.int32(0x7FFFFFFF), i)


def _zero256(ref):
    z = jnp.zeros((_L,), jnp.int32)
    for c in range(16):
        ref[pl.ds(c * _L, _L)] = z


def _locate(hist, sufr, tots, rank):
    ids0 = lax.iota(jnp.int32, _L)
    lane0 = ids0 == _splat(0)

    @plsc.parallel_loop(0, 16, unroll=4)
    def _(c):
        h = hist[pl.ds(c * _L, _L)]
        suf = jnp.flip(jnp.cumsum(jnp.flip(h)))
        sufr[pl.ds(c * _L, _L)] = suf
        plsc.store_scatter(tots, [_splat(c)], suf, mask=lane0)

    tv = tots[...]
    ts = jnp.flip(jnp.cumsum(jnp.flip(tv)))
    above_ch = ts - tv
    rank_s = _splat(rank)
    c_best = jnp.max(jnp.where(ts >= rank_s, ids0, _splat(-1)))
    above_c = jnp.max(
        jnp.where(ids0 == _splat(c_best), above_ch, _splat(_INT_MIN)))
    suf_w = sufr[pl.ds(c_best * _L, _L)] + _splat(above_c)
    h = hist[pl.ds(c_best * _L, _L)]
    ids = ids0 + c_best * _L
    b_best = jnp.max(jnp.where(suf_w >= rank_s, ids, _splat(-1)))
    sel = ids == _splat(b_best)
    above = jnp.max(jnp.where(sel, suf_w - h, _splat(-1)))
    h_at = jnp.max(jnp.where(sel, h, _splat(-1)))
    return b_best, above, h_at


def _sc_body(n_chunks, rows_per_worker, row_offset, k_active, x_hbm, out_hbm,
             xv, kv, hist, sufr, tots):
    wid = lax.axis_index("s") * 2 + lax.axis_index("c")
    base_row = row_offset + wid * rows_per_worker
    pltpu.sync_copy(x_hbm.at[pl.ds(base_row, rows_per_worker)], xv)

    ones = jnp.ones((_L,), jnp.int32)

    for r in range(rows_per_worker):
        _zero256(hist)

        @plsc.parallel_loop(0, n_chunks, unroll=8)
        def _(c):
            s = c * _L
            xi = lax.bitcast_convert_type(xv[r, pl.ds(s, _L)], jnp.int32)
            key = _to_key(xi)
            kv[r, pl.ds(s, _L)] = key
            plsc.addupdate_scatter(hist, [(key >> 24) + 128], ones)

        b1, above1, _h1 = _locate(hist, sufr, tots, jnp.int32(k_active))
        rank2 = jnp.int32(k_active) - above1

        p1v = b1 - 128

        def hist_level(prefix, pshift, dshift):
            _zero256(hist)
            ps = _splat(prefix)

            @plsc.parallel_loop(0, n_chunks, unroll=8)
            def _(c):
                key = kv[r, pl.ds(c * _L, _L)]
                m = (key >> pshift) == ps
                plsc.addupdate_scatter(
                    hist, [(key >> dshift) & 255], ones, mask=m)

        hist_level(p1v, 24, 16)
        b2, above2, _h2 = _locate(hist, sufr, tots, rank2)
        rank3 = rank2 - above2
        p2v = (p1v << 8) | b2

        hist_level(p2v, 16, 8)
        b3, above3, _h3 = _locate(hist, sufr, tots, rank3)
        rank4 = rank3 - above3
        p3v = (p2v << 8) | b3

        hist_level(p3v, 8, 0)
        b4, above4, h4 = _locate(hist, sufr, tots, rank4)

        v_key = (p3v << 8) | b4
        c_ge = above1 + above2 + above3 + above4 + h4

        vks = _splat(v_key)

        @plsc.parallel_loop(0, n_chunks, unroll=8, carry=_splat(_INT_MIN))
        def mx(c, acc):
            key = kv[r, pl.ds(c * _L, _L)]
            return jnp.maximum(acc, jnp.where(key < vks, key, _splat(_INT_MIN)))

        v2_key = jnp.where(c_ge >= jnp.int32(k_active + 1), v_key, jnp.max(mx))

        f1 = lax.bitcast_convert_type(_to_key(vks), jnp.float32)
        f2 = lax.bitcast_convert_type(_to_key(_splat(v2_key)), jnp.float32)
        thr = (f1 + f2) * jnp.float32(0.5)
        tkey = _to_key(lax.bitcast_convert_type(thr, jnp.int32))

        @plsc.parallel_loop(0, n_chunks, unroll=8)
        def _(c):
            s = c * _L
            key = kv[r, pl.ds(s, _L)]
            xv[r, pl.ds(s, _L)] = jnp.where(
                key > tkey, jnp.float32(1.0), jnp.float32(0.0))

    pltpu.sync_copy(xv, out_hbm.at[pl.ds(base_row, rows_per_worker)])


def _sc_kwta(x, row_offset=0):
    batch, emb = x.shape
    k_active = math.ceil(_SPARSITY * emb)
    rows_per_worker = (batch - row_offset) // 32
    n_chunks = emb // _L
    mesh = plsc.VectorSubcoreMesh(core_axis_name="c", subcore_axis_name="s")
    body = functools.partial(
        _sc_body, n_chunks, rows_per_worker, row_offset, k_active)
    f = pl.kernel(
        body,
        mesh=mesh,
        compiler_params=pltpu.CompilerParams(needs_layout_passes=False),
        out_type=jax.ShapeDtypeStruct((batch, emb), jnp.float32),
        scratch_types=[
            pltpu.VMEM((rows_per_worker, emb), jnp.float32),
            pltpu.VMEM((rows_per_worker, emb), jnp.int32),
            pltpu.VMEM((256,), jnp.int32),
            pltpu.VMEM((256,), jnp.int32),
            pltpu.VMEM((_L,), jnp.int32),
        ],
    )
    return f(x)


def _tc_thr_body(k_active, x_ref, thr_ref):
    x = x_ref[...]
    n = x.shape[1]
    i = lax.bitcast_convert_type(x, jnp.int32)
    keys = jnp.where(i < 0, i ^ jnp.int32(0x7FFFFFFF), i)
    int_min = jnp.int32(_INT_MIN)
    v0 = jnp.full((x.shape[0], 1), int_min, dtype=jnp.int32)
    c0 = jnp.full((x.shape[0], 1), n, dtype=jnp.int32)

    def step(it, carry):
        v, cnt_v = carry
        bit = lax.shift_left(jnp.int32(1), jnp.int32(31) - it.astype(jnp.int32))
        trial = v + bit
        cnt = jnp.sum((keys >= trial).astype(jnp.int32), axis=1, keepdims=True)
        take = cnt >= k_active
        return jnp.where(take, trial, v), jnp.where(take, cnt, cnt_v)

    v, cnt_v = lax.fori_loop(0, 32, step, (v0, c0))
    vnext = jnp.max(jnp.where(keys < v, keys, int_min), axis=1, keepdims=True)
    vk1 = jnp.where(cnt_v >= k_active + 1, v, vnext)

    def to_f32(s):
        return lax.bitcast_convert_type(
            jnp.where(s < 0, s ^ jnp.int32(0x7FFFFFFF), s), jnp.float32)

    thr_ref[...] = (to_f32(v) + to_f32(vk1)) * 0.5


def _tc_merge_body(x_ref, thr_ref, _ysc_ref, out_ref):
    out_ref[...] = (x_ref[...] > thr_ref[...]).astype(jnp.float32)


_TC_ROWS = 32


def kernel(x):
    batch, emb = x.shape
    k_active = math.ceil(_SPARSITY * emb)
    y_sc = _sc_kwta(x, _TC_ROWS)
    thr = pl.pallas_call(
        functools.partial(_tc_thr_body, k_active),
        grid=(1,),
        in_specs=[pl.BlockSpec((_TC_ROWS, emb), lambda i: (0, 0))],
        out_specs=pl.BlockSpec((_TC_ROWS, 1), lambda i: (0, 0)),
        out_shape=jax.ShapeDtypeStruct((_TC_ROWS, 1), jnp.float32),
    )(x)
    out = pl.pallas_call(
        _tc_merge_body,
        grid=(1,),
        in_specs=[
            pl.BlockSpec((_TC_ROWS, emb), lambda i: (0, 0)),
            pl.BlockSpec((_TC_ROWS, 1), lambda i: (0, 0)),
            pl.BlockSpec(memory_space=pltpu.MemorySpace.HBM),
        ],
        out_specs=pl.BlockSpec((_TC_ROWS, emb), lambda i: (0, 0)),
        out_shape=jax.ShapeDtypeStruct((batch, emb), jnp.float32),
        input_output_aliases={2: 0},
    )(x, thr, y_sc)
    return out

# --- scband reference (transcript-rebuilt; emitter-appended) ---
"""Pipeline reference for scband-kwinners-take-all-32195074850824 (READ-ONLY COPY).

The authoritative reference and input builder live on the scoring server;
editing this copy changes nothing except your own understanding.
"""

import math
import jax, jax.numpy as jnp
import numpy as np

SPARSITY = 0.05

def setup_inputs(seed: int = 0) -> dict:
    key = jax.random.key(seed)
    x = jax.random.normal(key, (64, 8192), dtype=jnp.float32)
    return {"x": x}

def reference(x):
    batch_size, embedding_size = x.shape
    k_active = math.ceil(SPARSITY * embedding_size)
    # sort descending along dim=1
    x_sorted = -jnp.sort(-x, axis=1)
    # threshold = mean of elements at positions [k_active-1, k_active]
    threshold = (x_sorted[:, k_active - 1] + x_sorted[:, k_active]) / 2.0
    threshold = threshold[:, None]
    mask_active = x > threshold
    return mask_active.astype(jnp.float32)

if __name__ == "__main__":
    import jax
    _d = setup_inputs()
    print(jax.jit(kernel)(*tuple(_d.values())))

</pallas_src>

<mosaic_0001>
#map = affine_map<(d0, d1) -> (0, 0)>
module attributes {stable_mosaic.version = 14 : i64} {
  func.func @_sc_body(%arg0: i32, %arg1: i32, %arg2: memref<64x8192xf32, #tpu.memory_space<hbm>>, %arg3: memref<64x8192xf32, #tpu.memory_space<hbm>>, %arg4: memref<1x8192xf32, #tpu.memory_space<vmem>>, %arg5: memref<1x8192xi32, #tpu.memory_space<vmem>>, %arg6: memref<256xi32, #tpu.memory_space<vmem>>, %arg7: memref<256xi32, #tpu.memory_space<vmem>>, %arg8: memref<16xi32, #tpu.memory_space<vmem>>) attributes {dimension_semantics = [#tpu.dimension_semantics<core_parallel>, #tpu.dimension_semantics<subcore_parallel>], iteration_bounds = array<i64: 2, 16>, scalar_prefetch = 0 : i64, scratch_operands = 5 : i64, tpu.core_type = #tpu.core_type<sc_vector_subcore>, window_params = [{transform_indices = #map}, {transform_indices = #map}]} {
    %mul3A = arith.constant 2 : i32
    %mul3A_0 = arith.muli %arg1, %mul3A : i32
    %add3A = arith.addi %mul3A_0, %arg0 : i32
    %mul3A_1 = arith.constant 1 : i32
    %mul3A_2 = arith.muli %add3A, %mul3A_1 : i32
    %add3A_3 = arith.constant 32 : i32
    %add3A_4 = arith.addi %add3A_3, %mul3A_2 : i32
    "tpu.region"() ({
      %run_scoped3A = tpu.sem_alloc : memref<!tpu.dma_semaphore, #tpu.memory_space<semaphore_mem>>
      %dma_start3A = arith.constant 0 : i32
      %dma_start3A_611 = tpu.memref_slice %arg2[%add3A_4, %dma_start3A] : memref<64x8192xf32, #tpu.memory_space<hbm>> -> memref<1x8192xf32, #tpu.memory_space<hbm>>
      %dma_start3A_612 = arith.constant 0 : i32
      %dma_start3A_613 = tpu.memref_slice %arg2[%add3A_4, %dma_start3A_612] : memref<64x8192xf32, #tpu.memory_space<hbm>> -> memref<1x8192xf32, #tpu.memory_space<hbm>>
      tpu.enqueue_dma source(%dma_start3A_613 : memref<1x8192xf32, #tpu.memory_space<hbm>>) target(%arg4 : memref<1x8192xf32, #tpu.memory_space<vmem>>) target_semaphore(%run_scoped3A : memref<!tpu.dma_semaphore, #tpu.memory_space<semaphore_mem>>)
      %dma_wait3A = arith.constant 0 : i32
      %dma_wait3A_614 = tpu.memref_slice %arg2[%add3A_4, %dma_wait3A] : memref<64x8192xf32, #tpu.memory_space<hbm>> -> memref<1x8192xf32, #tpu.memory_space<hbm>>
      %dma_wait3A_615 = arith.constant 0 : i32
      %dma_wait3A_616 = tpu.memref_slice %arg2[%add3A_4, %dma_wait3A_615] : memref<64x8192xf32, #tpu.memory_space<hbm>> -> memref<1x8192xf32, #tpu.memory_space<hbm>>
      tpu.wait_dma2 semaphore(%run_scoped3A : memref<!tpu.dma_semaphore, #tpu.memory_space<semaphore_mem>>) src(%dma_wait3A_616 : memref<1x8192xf32, #tpu.memory_space<hbm>>) dst(%arg4 : memref<1x8192xf32, #tpu.memory_space<vmem>>)
      tpu.yield
    }) : () -> ()
    %broadcast_in_dim3A = arith.constant 1 : i32
    %broadcast_in_dim3A_5 = vector.broadcast %broadcast_in_dim3A : i32 to vector<16xi32>
    %broadcast_in_dim3A_6 = arith.constant 0 : i32
    %broadcast_in_dim3A_7 = vector.broadcast %broadcast_in_dim3A_6 : i32 to vector<16xi32>
    %swap3A = arith.constant 0 : index
    %swap3A_8 = tpu.vector_load %arg6[%swap3A] {strides = array<i32>} : memref<256xi32, #tpu.memory_space<vmem>>, vector<16xi32>,
    tpu.vector_store %arg6[%swap3A], %broadcast_in_dim3A_7 {strides = array<i32>} : memref<256xi32, #tpu.memory_space<vmem>>, vector<16xi32>,
    %swap3A_9 = arith.constant 16 : index
    %swap3A_10 = tpu.vector_load %arg6[%swap3A_9] {strides = array<i32>} : memref<256xi32, #tpu.memory_space<vmem>>, vector<16xi32>,
    tpu.vector_store %arg6[%swap3A_9], %broadcast_in_dim3A_7 {strides = array<i32>} : memref<256xi32, #tpu.memory_space<vmem>>, vector<16xi32>,
    %swap3A_11 = arith.constant 32 : index
    %swap3A_12 = tpu.vector_load %arg6[%swap3A_11] {strides = array<i32>} : memref<256xi32, #tpu.memory_space<vmem>>, vector<16xi32>,
    tpu.vector_store %arg6[%swap3A_11], %broadcast_in_dim3A_7 {strides = array<i32>} : memref<256xi32, #tpu.memory_space<vmem>>, vector<16xi32>,
    %swap3A_13 = arith.constant 48 : index
    %swap3A_14 = tpu.vector_load %arg6[%swap3A_13] {strides = array<i32>} : memref<256xi32, #tpu.memory_space<vmem>>, vector<16xi32>,
    tpu.vector_store %arg6[%swap3A_13], %broadcast_in_dim3A_7 {strides = array<i32>} : memref<256xi32, #tpu.memory_space<vmem>>, vector<16xi32>,
    %swap3A_15 = arith.constant 64 : index
    %swap3A_16 = tpu.vector_load %arg6[%swap3A_15] {strides = array<i32>} : memref<256xi32, #tpu.memory_space<vmem>>, vector<16xi32>,
    tpu.vector_store %arg6[%swap3A_15], %broadcast_in_dim3A_7 {strides = array<i32>} : memref<256xi32, #tpu.memory_space<vmem>>, vector<16xi32>,
    %swap3A_17 = arith.constant 80 : index
    %swap3A_18 = tpu.vector_load %arg6[%swap3A_17] {strides = array<i32>} : memref<256xi32, #tpu.memory_space<vmem>>, vector<16xi32>,
    tpu.vector_store %arg6[%swap3A_17], %broadcast_in_dim3A_7 {strides = array<i32>} : memref<256xi32, #tpu.memory_space<vmem>>, vector<16xi32>,
    %swap3A_19 = arith.constant 96 : index
    %swap3A_20 = tpu.vector_load %arg6[%swap3A_19] {strides = array<i32>} : memref<256xi32, #tpu.memory_space<vmem>>, vector<16xi32>,
    tpu.vector_store %arg6[%swap3A_19], %broadcast_in_dim3A_7 {strides = array<i32>} : memref<256xi32, #tpu.memory_space<vmem>>, vector<16xi32>,
    %swap3A_21 = arith.constant 112 : index
    %swap3A_22 = tpu.vector_load %arg6[%swap3A_21] {strides = array<i32>} : memref<256xi32, #tpu.memory_space<vmem>>, vector<16xi32>,
    tpu.vector_store %arg6[%swap3A_21], %broadcast_in_dim3A_7 {strides = array<i32>} : memref<256xi32, #tpu.memory_space<vmem>>, vector<16xi32>,
    %swap3A_23 = arith.constant 128 : index
    %swap3A_24 = tpu.vector_load %arg6[%swap3A_23] {strides = array<i32>} : memref<256xi32, #tpu.memory_space<vmem>>, vector<16xi32>,
    tpu.vector_store %arg6[%swap3A_23], %broadcast_in_dim3A_7 {strides = array<i32>} : memref<256xi32, #tpu.memory_space<vmem>>, vector<16xi32>,
    %swap3A_25 = arith.constant 144 : index
    %swap3A_26 = tpu.vector_load %arg6[%swap3A_25] {strides = array<i32>} : memref<256xi32, #tpu.memory_space<vmem>>, vector<16xi32>,
    tpu.vector_store %arg6[%swap3A_25], %broadcast_in_dim3A_7 {strides = array<i32>} : memref<256xi32, #tpu.memory_space<vmem>>, vector<16xi32>,
    %swap3A_27 = arith.constant 160 : index
    %swap3A_28 = tpu.vector_load %arg6[%swap3A_27] {strides = array<i32>} : memref<256xi32, #tpu.memory_space<vmem>>, vector<16xi32>,
    tpu.vector_store %arg6[%swap3A_27], %broadcast_in_dim3A_7 {strides = array<i32>} : memref<256xi32, #tpu.memory_space<vmem>>, vector<16xi32>,
    %swap3A_29 = arith.constant 176 : index
    %swap3A_30 = tpu.vector_load %arg6[%swap3A_29] {strides = array<i32>} : memref<256xi32, #tpu.memory_space<vmem>>, vector<16xi32>,
    tpu.vector_store %arg6[%swap3A_29], %broadcast_in_dim3A_7 {strides = array<i32>} : memref<256xi32, #tpu.memory_space<vmem>>, vector<16xi32>,
    %swap3A_31 = arith.constant 192 : index
    %swap3A_32 = tpu.vector_load %arg6[%swap3A_31] {strides = array<i32>} : memref<256xi32, #tpu.memory_space<vmem>>, vector<16xi32>,
    tpu.vector_store %arg6[%swap3A_31], %broadcast_in_dim3A_7 {strides = array<i32>} : memref<256xi32, #tpu.memory_space<vmem>>, vector<16xi32>,
    %swap3A_33 = arith.constant 208 : index
    %swap3A_34 = tpu.vector_load %arg6[%swap3A_33] {strides = array<i32>} : memref<256xi32, #tpu.memory_space<vmem>>, vector<16xi32>,
    tpu.vector_store %arg6[%swap3A_33], %broadcast_in_dim3A_7 {strides = array<i32>} : memref<256xi32, #tpu.memory_space<vmem>>, vector<16xi32>,
    %swap3A_35 = arith.constant 224 : index
    %swap3A_36 = tpu.vector_load %arg6[%swap3A_35] {strides = array<i32>} : memref<256xi32, #tpu.memory_space<vmem>>, vector<16xi32>,
    tpu.vector_store %arg6[%swap3A_35], %broadcast_in_dim3A_7 {strides = array<i32>} : memref<256xi32, #tpu.memory_space<vmem>>, vector<16xi32>,
    %swap3A_37 = arith.constant 240 : index
    %swap3A_38 = tpu.vector_load %arg6[%swap3A_37] {strides = array<i32>} : memref<256xi32, #tpu.memory_space<vmem>>, vector<16xi32>,
    tpu.vector_store %arg6[%swap3A_37], %broadcast_in_dim3A_7 {strides = array<i32>} : memref<256xi32, #tpu.memory_space<vmem>>, vector<16xi32>,
    %parallel_loop3A = arith.constant 0 : i32
    %parallel_loop3A_39 = arith.constant 512 : i32
    %parallel_loop3A_40 = arith.constant 1 : i32
    scf.for %parallel_loop3A_611 = %parallel_loop3A to %parallel_loop3A_39 step %parallel_loop3A_40  : i32 {
      %parallel_loop3A_612 = arith.constant 16 : i32
      %parallel_loop3A_613 = arith.muli %parallel_loop3A_611, %parallel_loop3A_612 : i32
      %parallel_loop3A_614 = arith.constant 0 : i32
      %parallel_loop3A_615 = arith.index_cast %parallel_loop3A_614 : i32 to index
      %parallel_loop3A_616 = arith.index_cast %parallel_loop3A_613 : i32 to index
      %parallel_loop3A_617 = tpu.vector_load %arg4[%parallel_loop3A_615, %parallel_loop3A_616] {strides = array<i32>} : memref<1x8192xf32, #tpu.memory_space<vmem>>, vector<16xf32>,
      %parallel_loop3A_618 = tpu.bitcast %parallel_loop3A_617 : vector<16xf32> -> vector<16xi32>
      %parallel_loop3A_619 = arith.constant 0 : i32
      %parallel_loop3A_620 = vector.broadcast %parallel_loop3A_619 : i32 to vector<16xi32>
      %parallel_loop3A_621 = arith.cmpi slt, %parallel_loop3A_618, %parallel_loop3A_620 : vector<16xi32>
      %parallel_loop3A_622 = arith.constant 2147483647 : i32
      %parallel_loop3A_623 = vector.broadcast %parallel_loop3A_622 : i32 to vector<16xi32>
      %parallel_loop3A_624 = arith.xori %parallel_loop3A_618, %parallel_loop3A_623 : vector<16xi32>
      %parallel_loop3A_625 = arith.select %parallel_loop3A_621, %parallel_loop3A_624, %parallel_loop3A_618 : vector<16xi1>, vector<16xi32>
      %parallel_loop3A_626 = arith.constant 0 : i32
      %parallel_loop3A_627 = arith.index_cast %parallel_loop3A_626 : i32 to index
      %parallel_loop3A_628 = arith.index_cast %parallel_loop3A_613 : i32 to index
      %parallel_loop3A_629 = tpu.vector_load %arg5[%parallel_loop3A_627, %parallel_loop3A_628] {strides = array<i32>} : memref<1x8192xi32, #tpu.memory_space<vmem>>, vector<16xi32>,
      tpu.vector_store %arg5[%parallel_loop3A_627, %parallel_loop3A_628], %parallel_loop3A_625 {strides = array<i32>} : memref<1x8192xi32, #tpu.memory_space<vmem>>, vector<16xi32>,
      %parallel_loop3A_630 = arith.constant 24 : i32
      %parallel_loop3A_631 = vector.broadcast %parallel_loop3A_630 : i32 to vector<16xi32>
      %parallel_loop3A_632 = arith.shrsi %parallel_loop3A_625, %parallel_loop3A_631 : vector<16xi32>
      %parallel_loop3A_633 = arith.constant 128 : i32
      %parallel_loop3A_634 = vector.broadcast %parallel_loop3A_633 : i32 to vector<16xi32>
      %parallel_loop3A_635 = arith.addi %parallel_loop3A_632, %parallel_loop3A_634 : vector<16xi32>
      tpu.vector_store_idx %arg6[%parallel_loop3A_635], %broadcast_in_dim3A_5 {add = true} : memref<256xi32, #tpu.memory_space<vmem>>[vector<16xi32>], vector<16xi32>,
    } {sc.loop_unroll_factor = 8 : i64, sc.parallel_access}
    %iota3A = tpu.iota {dimensions = array<i32: 0>} : vector<16xi32>
    %broadcast_in_dim3A_41 = arith.constant 0 : i32
    %broadcast_in_dim3A_42 = vector.broadcast %broadcast_in_dim3A_41 : i32 to vector<16xi32>
    %eq3A = arith.cmpi eq, %iota3A, %broadcast_in_dim3A_42 : vector<16xi32>
    %parallel_loop3A_43 = arith.constant 0 : i32
    %parallel_loop3A_44 = arith.constant 16 : i32
    %parallel_loop3A_45 = arith.constant 1 : i32
    scf.for %parallel_loop3A_611 = %parallel_loop3A_43 to %parallel_loop3A_44 step %parallel_loop3A_45  : i32 {
      %parallel_loop3A_612 = arith.constant 16 : i32
      %parallel_loop3A_613 = arith.muli %parallel_loop3A_611, %parallel_loop3A_612 : i32
      %parallel_loop3A_614 = arith.index_cast %parallel_loop3A_613 : i32 to index
      %parallel_loop3A_615 = tpu.vector_load %arg6[%parallel_loop3A_614] {strides = array<i32>} : memref<256xi32, #tpu.memory_space<vmem>>, vector<16xi32>,
      %parallel_loop3A_616 = arith.constant 15 : i32
      %parallel_loop3A_617 = vector.broadcast %parallel_loop3A_616 : i32 to vector<16xi32>
      %parallel_loop3A_618 = tpu.iota {dimensions = array<i32: 0>} : vector<16xi32>
      %parallel_loop3A_619 = arith.subi %parallel_loop3A_617, %parallel_loop3A_618 : vector<16xi32>
      %parallel_loop3A_620 = tpu.dynamic_gather %parallel_loop3A_615[%parallel_loop3A_619] in [0] : vector<16xi32>, vector<16xi32> -> vector<16xi32>
      %parallel_loop3A_621 = arith.constant true
      %parallel_loop3A_622 = vector.broadcast %parallel_loop3A_621 : i1 to vector<16xi1>
      %parallel_loop3A_623 = tpu.scan <sum>, %parallel_loop3A_620 masked %parallel_loop3A_622 : vector<16xi32>, vector<16xi1> -> vector<16xi32>
      %parallel_loop3A_624 = arith.constant 15 : i32
      %parallel_loop3A_625 = vector.broadcast %parallel_loop3A_624 : i32 to vector<16xi32>
      %parallel_loop3A_626 = tpu.iota {dimensions = array<i32: 0>} : vector<16xi32>
      %parallel_loop3A_627 = arith.subi %parallel_loop3A_625, %parallel_loop3A_626 : vector<16xi32>
      %parallel_loop3A_628 = tpu.dynamic_gather %parallel_loop3A_623[%parallel_loop3A_627] in [0] : vector<16xi32>, vector<16xi32> -> vector<16xi32>
      %parallel_loop3A_629 = arith.constant 16 : i32
      %parallel_loop3A_630 = arith.muli %parallel_loop3A_611, %parallel_loop3A_629 : i32
      %parallel_loop3A_631 = arith.index_cast %parallel_loop3A_630 : i32 to index
      %parallel_loop3A_632 = tpu.vector_load %arg7[%parallel_loop3A_631] {strides = array<i32>} : memref<256xi32, #tpu.memory_space<vmem>>, vector<16xi32>,
      tpu.vector_store %arg7[%parallel_loop3A_631], %parallel_loop3A_628 {strides = array<i32>} : memref<256xi32, #tpu.memory_space<vmem>>, vector<16xi32>,
      %parallel_loop3A_633 = vector.broadcast %parallel_loop3A_611 : i32 to vector<16xi32>
      tpu.vector_store_idx %arg8[%parallel_loop3A_633], %parallel_loop3A_628 masked %eq3A : memref<16xi32, #tpu.memory_space<vmem>>[vector<16xi32>], vector<16xi32>, vector<16xi1>
    } {sc.loop_unroll_factor = 4 : i64, sc.parallel_access}
    %get3A = arith.constant 0 : index
    %get3A_46 = tpu.vector_load %arg8[%get3A] {strides = array<i32>} : memref<16xi32, #tpu.memory_space<vmem>>, vector<16xi32>,
    %rev3A = arith.constant 15 : i32
    %rev3A_47 = vector.broadcast %rev3A : i32 to vector<16xi32>
    %rev3A_48 = tpu.iota {dimensions = array<i32: 0>} : vector<16xi32>
    %rev3A_49 = arith.subi %rev3A_47, %rev3A_48 : vector<16xi32>
    %rev3A_50 = tpu.dynamic_gather %get3A_46[%rev3A_49] in [0] : vector<16xi32>, vector<16xi32> -> vector<16xi32>
    %cumsum3A = arith.constant true
    %cumsum3A_51 = vector.broadcast %cumsum3A : i1 to vector<16xi1>
    %cumsum3A_52 = tpu.scan <sum>, %rev3A_50 masked %cumsum3A_51 : vector<16xi32>, vector<16xi1> -> vector<16xi32>
    %rev3A_53 = arith.constant 15 : i32
    %rev3A_54 = vector.broadcast %rev3A_53 : i32 to vector<16xi32>
    %rev3A_55 = tpu.iota {dimensions = array<i32: 0>} : vector<16xi32>
    %rev3A_56 = arith.subi %rev3A_54, %rev3A_55 : vector<16xi32>
    %rev3A_57 = tpu.dynamic_gather %cumsum3A_52[%rev3A_56] in [0] : vector<16xi32>, vector<16xi32> -> vector<16xi32>
    %sub3A = arith.subi %rev3A_57, %get3A_46 : vector<16xi32>
    %broadcast_in_dim3A_58 = arith.constant 410 : i32
    %broadcast_in_dim3A_59 = vector.broadcast %broadcast_in_dim3A_58 : i32 to vector<16xi32>
    %ge3A = arith.cmpi sge, %rev3A_57, %broadcast_in_dim3A_59 : vector<16xi32>
    %broadcast_in_dim3A_60 = arith.constant -1 : i32
    %broadcast_in_dim3A_61 = vector.broadcast %broadcast_in_dim3A_60 : i32 to vector<16xi32>
    %select_n3A = arith.select %ge3A, %iota3A, %broadcast_in_dim3A_61 : vector<16xi1>, vector<16xi32>
    %reduce_max3A = arith.constant true
    %reduce_max3A_62 = vector.broadcast %reduce_max3A : i1 to vector<16xi1>
    %reduce_max3A_63 = arith.constant -2147483648 : i32
    %reduce_max3A_64 = vector.broadcast %reduce_max3A_63 : i32 to vector<16xi32>
    %reduce_max3A_65 = arith.xori %select_n3A, %reduce_max3A_64 : vector<16xi32>
    %reduce_max3A_66 = tpu.scan <max>, %reduce_max3A_65 masked %reduce_max3A_62 : vector<16xi32>, vector<16xi1> -> vector<16xi32>
    %reduce_max3A_67 = arith.xori %reduce_max3A_66, %reduce_max3A_64 : vector<16xi32>
    %reduce_max3A_68 = vector.extract %reduce_max3A_67[15] : i32 from vector<16xi32>
    %broadcast_in_dim3A_69 = vector.broadcast %reduce_max3A_68 : i32 to vector<16xi32>
    %eq3A_70 = arith.cmpi eq, %iota3A, %broadcast_in_dim3A_69 : vector<16xi32>
    %broadcast_in_dim3A_71 = arith.constant -2147483648 : i32
    %broadcast_in_dim3A_72 = vector.broadcast %broadcast_in_dim3A_71 : i32 to vector<16xi32>
    %select_n3A_73 = arith.select %eq3A_70, %sub3A, %broadcast_in_dim3A_72 : vector<16xi1>, vector<16xi32>
    %reduce_max3A_74 = arith.constant true
    %reduce_max3A_75 = vector.broadcast %reduce_max3A_74 : i1 to vector<16xi1>
    %reduce_max3A_76 = arith.constant -2147483648 : i32
    %reduce_max3A_77 = vector.broadcast %reduce_max3A_76 : i32 to vector<16xi32>
    %reduce_max3A_78 = arith.xori %select_n3A_73, %reduce_max3A_77 : vector<16xi32>
    %reduce_max3A_79 = tpu.scan <max>, %reduce_max3A_78 masked %reduce_max3A_75 : vector<16xi32>, vector<16xi1> -> vector<16xi32>
    %reduce_max3A_80 = arith.xori %reduce_max3A_79, %reduce_max3A_77 : vector<16xi32>
    %reduce_max3A_81 = vector.extract %reduce_max3A_80[15] : i32 from vector<16xi32>
    %mul3A_82 = arith.constant 16 : i32
    %mul3A_83 = arith.muli %reduce_max3A_68, %mul3A_82 : i32
    %get3A_84 = arith.index_cast %mul3A_83 : i32 to index
    %get3A_85 = tpu.vector_load %arg7[%get3A_84] {strides = array<i32>} : memref<256xi32, #tpu.memory_space<vmem>>, vector<16xi32>,
    %broadcast_in_dim3A_86 = vector.broadcast %reduce_max3A_81 : i32 to vector<16xi32>
    %add3A_87 = arith.addi %get3A_85, %broadcast_in_dim3A_86 : vector<16xi32>
    %mul3A_88 = arith.constant 16 : i32
    %mul3A_89 = arith.muli %reduce_max3A_68, %mul3A_88 : i32
    %get3A_90 = arith.index_cast %mul3A_89 : i32 to index
    %get3A_91 = tpu.vector_load %arg6[%get3A_90] {strides = array<i32>} : memref<256xi32, #tpu.memory_space<vmem>>, vector<16xi32>,
    %mul3A_92 = arith.constant 16 : i32
    %mul3A_93 = arith.muli %reduce_max3A_68, %mul3A_92 : i32
    %add3A_94 = vector.broadcast %mul3A_93 : i32 to vector<16xi32>
    %add3A_95 = arith.addi %iota3A, %add3A_94 : vector<16xi32>
    %ge3A_96 = arith.cmpi sge, %add3A_87, %broadcast_in_dim3A_59 : vector<16xi32>
    %broadcast_in_dim3A_97 = arith.constant -1 : i32
    %broadcast_in_dim3A_98 = vector.broadcast %broadcast_in_dim3A_97 : i32 to vector<16xi32>
    %select_n3A_99 = arith.select %ge3A_96, %add3A_95, %broadcast_in_dim3A_98 : vector<16xi1>, vector<16xi32>
    %reduce_max3A_100 = arith.constant true
    %reduce_max3A_101 = vector.broadcast %reduce_max3A_100 : i1 to vector<16xi1>
    %reduce_max3A_102 = arith.constant -2147483648 : i32
    %reduce_max3A_103 = vector.broadcast %reduce_max3A_102 : i32 to vector<16xi32>
    %reduce_max3A_104 = arith.xori %select_n3A_99, %reduce_max3A_103 : vector<16xi32>
    %reduce_max3A_105 = tpu.scan <max>, %reduce_max3A_104 masked %reduce_max3A_101 : vector<16xi32>, vector<16xi1> -> vector<16xi32>
    %reduce_max3A_106 = arith.xori %reduce_max3A_105, %reduce_max3A_103 : vector<16xi32>
    %reduce_max3A_107 = vector.extract %reduce_max3A_106[15] : i32 from vector<16xi32>
    %broadcast_in_dim3A_108 = vector.broadcast %reduce_max3A_107 : i32 to vector<16xi32>
    %eq3A_109 = arith.cmpi eq, %add3A_95, %broadcast_in_dim3A_108 : vector<16xi32>
    %sub3A_110 = arith.subi %add3A_87, %get3A_91 : vector<16xi32>
    %broadcast_in_dim3A_111 = arith.constant -1 : i32
    %broadcast_in_dim3A_112 = vector.broadcast %broadcast_in_dim3A_111 : i32 to vector<16xi32>
    %select_n3A_113 = arith.select %eq3A_109, %sub3A_110, %broadcast_in_dim3A_112 : vector<16xi1>, vector<16xi32>
    %reduce_max3A_114 = arith.constant true
    %reduce_max3A_115 = vector.broadcast %reduce_max3A_114 : i1 to vector<16xi1>
    %reduce_max3A_116 = arith.constant -2147483648 : i32
    %reduce_max3A_117 = vector.broadcast %reduce_max3A_116 : i32 to vector<16xi32>
    %reduce_max3A_118 = arith.xori %select_n3A_113, %reduce_max3A_117 : vector<16xi32>
    %reduce_max3A_119 = tpu.scan <max>, %reduce_max3A_118 masked %reduce_max3A_115 : vector<16xi32>, vector<16xi1> -> vector<16xi32>
    %reduce_max3A_120 = arith.xori %reduce_max3A_119, %reduce_max3A_117 : vector<16xi32>
    %reduce_max3A_121 = vector.extract %reduce_max3A_120[15] : i32 from vector<16xi32>
    %broadcast_in_dim3A_122 = arith.constant -1 : i32
    %broadcast_in_dim3A_123 = vector.broadcast %broadcast_in_dim3A_122 : i32 to vector<16xi32>
    %select_n3A_124 = arith.select %eq3A_109, %get3A_91, %broadcast_in_dim3A_123 : vector<16xi1>, vector<16xi32>
    %reduce_max3A_125 = arith.constant true
    %reduce_max3A_126 = vector.broadcast %reduce_max3A_125 : i1 to vector<16xi1>
    %reduce_max3A_127 = arith.constant -2147483648 : i32
    %reduce_max3A_128 = vector.broadcast %reduce_max3A_127 : i32 to vector<16xi32>
    %reduce_max3A_129 = arith.xori %select_n3A_124, %reduce_max3A_128 : vector<16xi32>
    %reduce_max3A_130 = tpu.scan <max>, %reduce_max3A_129 masked %reduce_max3A_126 : vector<16xi32>, vector<16xi1> -> vector<16xi32>
    %reduce_max3A_131 = arith.xori %reduce_max3A_130, %reduce_max3A_128 : vector<16xi32>
    %reduce_max3A_132 = vector.extract %reduce_max3A_131[15] : i32 from vector<16xi32>
    %sub3A_133 = arith.constant 410 : i32
    %sub3A_134 = arith.subi %sub3A_133, %reduce_max3A_121 : i32
    %sub3A_135 = arith.constant 128 : i32
    %sub3A_136 = arith.subi %reduce_max3A_107, %sub3A_135 : i32
    %broadcast_in_dim3A_137 = arith.constant 0 : i32
    %broadcast_in_dim3A_138 = vector.broadcast %broadcast_in_dim3A_137 : i32 to vector<16xi32>
    %swap3A_139 = arith.constant 0 : index
    %swap3A_140 = tpu.vector_load %arg6[%swap3A_139] {strides = array<i32>} : memref<256xi32, #tpu.memory_space<vmem>>, vector<16xi32>,
    tpu.vector_store %arg6[%swap3A_139], %broadcast_in_dim3A_138 {strides = array<i32>} : memref<256xi32, #tpu.memory_space<vmem>>, vector<16xi32>,
    %swap3A_141 = arith.constant 16 : index
    %swap3A_142 = tpu.vector_load %arg6[%swap3A_141] {strides = array<i32>} : memref<256xi32, #tpu.memory_space<vmem>>, vector<16xi32>,
    tpu.vector_store %arg6[%swap3A_141], %broadcast_in_dim3A_138 {strides = array<i32>} : memref<256xi32, #tpu.memory_space<vmem>>, vector<16xi32>,
    %swap3A_143 = arith.constant 32 : index
    %swap3A_144 = tpu.vector_load %arg6[%swap3A_143] {strides = array<i32>} : memref<256xi32, #tpu.memory_space<vmem>>, vector<16xi32>,
    tpu.vector_store %arg6[%swap3A_143], %broadcast_in_dim3A_138 {strides = array<i32>} : memref<256xi32, #tpu.memory_space<vmem>>, vector<16xi32>,
    %swap3A_145 = arith.constant 48 : index
    %swap3A_146 = tpu.vector_load %arg6[%swap3A_145] {strides = array<i32>} : memref<256xi32, #tpu.memory_space<vmem>>, vector<16xi32>,
    tpu.vector_store %arg6[%swap3A_145], %broadcast_in_dim3A_138 {strides = array<i32>} : memref<256xi32, #tpu.memory_space<vmem>>, vector<16xi32>,
    %swap3A_147 = arith.constant 64 : index
    %swap3A_148 = tpu.vector_load %arg6[%swap3A_147] {strides = array<i32>} : memref<256xi32, #tpu.memory_space<vmem>>, vector<16xi32>,
    tpu.vector_store %arg6[%swap3A_147], %broadcast_in_dim3A_138 {strides = array<i32>} : memref<256xi32, #tpu.memory_space<vmem>>, vector<16xi32>,
    %swap3A_149 = arith.constant 80 : index
    %swap3A_150 = tpu.vector_load %arg6[%swap3A_149] {strides = array<i32>} : memref<256xi32, #tpu.memory_space<vmem>>, vector<16xi32>,
    tpu.vector_store %arg6[%swap3A_149], %broadcast_in_dim3A_138 {strides = array<i32>} : memref<256xi32, #tpu.memory_space<vmem>>, vector<16xi32>,
    %swap3A_151 = arith.constant 96 : index
    %swap3A_152 = tpu.vector_load %arg6[%swap3A_151] {strides = array<i32>} : memref<256xi32, #tpu.memory_space<vmem>>, vector<16xi32>,
    tpu.vector_store %arg6[%swap3A_151], %broadcast_in_dim3A_138 {strides = array<i32>} : memref<256xi32, #tpu.memory_space<vmem>>, vector<16xi32>,
    %swap3A_153 = arith.constant 112 : index
    %swap3A_154 = tpu.vector_load %arg6[%swap3A_153] {strides = array<i32>} : memref<256xi32, #tpu.memory_space<vmem>>, vector<16xi32>,
    tpu.vector_store %arg6[%swap3A_153], %broadcast_in_dim3A_138 {strides = array<i32>} : memref<256xi32, #tpu.memory_space<vmem>>, vector<16xi32>,
    %swap3A_155 = arith.constant 128 : index
    %swap3A_156 = tpu.vector_load %arg6[%swap3A_155] {strides = array<i32>} : memref<256xi32, #tpu.memory_space<vmem>>, vector<16xi32>,
    tpu.vector_store %arg6[%swap3A_155], %broadcast_in_dim3A_138 {strides = array<i32>} : memref<256xi32, #tpu.memory_space<vmem>>, vector<16xi32>,
    %swap3A_157 = arith.constant 144 : index
    %swap3A_158 = tpu.vector_load %arg6[%swap3A_157] {strides = array<i32>} : memref<256xi32, #tpu.memory_space<vmem>>, vector<16xi32>,
    tpu.vector_store %arg6[%swap3A_157], %broadcast_in_dim3A_138 {strides = array<i32>} : memref<256xi32, #tpu.memory_space<vmem>>, vector<16xi32>,
    %swap3A_159 = arith.constant 160 : index
    %swap3A_160 = tpu.vector_load %arg6[%swap3A_159] {strides = array<i32>} : memref<256xi32, #tpu.memory_space<vmem>>, vector<16xi32>,
    tpu.vector_store %arg6[%swap3A_159], %broadcast_in_dim3A_138 {strides = array<i32>} : memref<256xi32, #tpu.memory_space<vmem>>, vector<16xi32>,
    %swap3A_161 = arith.constant 176 : index
    %swap3A_162 = tpu.vector_load %arg6[%swap3A_161] {strides = array<i32>} : memref<256xi32, #tpu.memory_space<vmem>>, vector<16xi32>,
    tpu.vector_store %arg6[%swap3A_161], %broadcast_in_dim3A_138 {strides = array<i32>} : memref<256xi32, #tpu.memory_space<vmem>>, vector<16xi32>,
    %swap3A_163 = arith.constant 192 : index
    %swap3A_164 = tpu.vector_load %arg6[%swap3A_163] {strides = array<i32>} : memref<256xi32, #tpu.memory_space<vmem>>, vector<16xi32>,
    tpu.vector_store %arg6[%swap3A_163], %broadcast_in_dim3A_138 {strides = array<i32>} : memref<256xi32, #tpu.memory_space<vmem>>, vector<16xi32>,
    %swap3A_165 = arith.constant 208 : index
    %swap3A_166 = tpu.vector_load %arg6[%swap3A_165] {strides = array<i32>} : memref<256xi32, #tpu.memory_space<vmem>>, vector<16xi32>,
    tpu.vector_store %arg6[%swap3A_165], %broadcast_in_dim3A_138 {strides = array<i32>} : memref<256xi32, #tpu.memory_space<vmem>>, vector<16xi32>,
    %swap3A_167 = arith.constant 224 : index
    %swap3A_168 = tpu.vector_load %arg6[%swap3A_167] {strides = array<i32>} : memref<256xi32, #tpu.memory_space<vmem>>, vector<16xi32>,
    tpu.vector_store %arg6[%swap3A_167], %broadcast_in_dim3A_138 {strides = array<i32>} : memref<256xi32, #tpu.memory_space<vmem>>, vector<16xi32>,
    %swap3A_169 = arith.constant 240 : index
    %swap3A_170 = tpu.vector_load %arg6[%swap3A_169] {strides = array<i32>} : memref<256xi32, #tpu.memory_space<vmem>>, vector<16xi32>,
    tpu.vector_store %arg6[%swap3A_169], %broadcast_in_dim3A_138 {strides = array<i32>} : memref<256xi32, #tpu.memory_space<vmem>>, vector<16xi32>,
    %broadcast_in_dim3A_171 = vector.broadcast %sub3A_136 : i32 to vector<16xi32>
    %parallel_loop3A_172 = arith.constant 0 : i32
    %parallel_loop3A_173 = arith.constant 512 : i32
    %parallel_loop3A_174 = arith.constant 1 : i32
    scf.for %parallel_loop3A_611 = %parallel_loop3A_172 to %parallel_loop3A_173 step %parallel_loop3A_174  : i32 {
      %parallel_loop3A_612 = arith.constant 16 : i32
      %parallel_loop3A_613 = arith.muli %parallel_loop3A_611, %parallel_loop3A_612 : i32
      %parallel_loop3A_614 = arith.constant 0 : i32
      %parallel_loop3A_615 = arith.index_cast %parallel_loop3A_614 : i32 to index
      %parallel_loop3A_616 = arith.index_cast %parallel_loop3A_613 : i32 to index
      %parallel_loop3A_617 = tpu.vector_load %arg5[%parallel_loop3A_615, %parallel_loop3A_616] {strides = array<i32>} : memref<1x8192xi32, #tpu.memory_space<vmem>>, vector<16xi32>,
      %parallel_loop3A_618 = arith.constant 24 : i32
      %parallel_loop3A_619 = vector.broadcast %parallel_loop3A_618 : i32 to vector<16xi32>
      %parallel_loop3A_620 = arith.shrsi %parallel_loop3A_617, %parallel_loop3A_619 : vector<16xi32>
      %parallel_loop3A_621 = arith.cmpi eq, %parallel_loop3A_620, %broadcast_in_dim3A_171 : vector<16xi32>
      %parallel_loop3A_622 = arith.constant 16 : i32
      %parallel_loop3A_623 = vector.broadcast %parallel_loop3A_622 : i32 to vector<16xi32>
      %parallel_loop3A_624 = arith.shrsi %parallel_loop3A_617, %parallel_loop3A_623 : vector<16xi32>
      %parallel_loop3A_625 = arith.constant 255 : i32
      %parallel_loop3A_626 = vector.broadcast %parallel_loop3A_625 : i32 to vector<16xi32>
      %parallel_loop3A_627 = arith.andi %parallel_loop3A_624, %parallel_loop3A_626 : vector<16xi32>
      tpu.vector_store_idx %arg6[%parallel_loop3A_627], %broadcast_in_dim3A_5 masked %parallel_loop3A_621 {add = true} : memref<256xi32, #tpu.memory_space<vmem>>[vector<16xi32>], vector<16xi32>, vector<16xi1>
    } {sc.loop_unroll_factor = 8 : i64, sc.parallel_access}
    %iota3A_175 = tpu.iota {dimensions = array<i32: 0>} : vector<16xi32>
    %broadcast_in_dim3A_176 = arith.constant 0 : i32
    %broadcast_in_dim3A_177 = vector.broadcast %broadcast_in_dim3A_176 : i32 to vector<16xi32>
    %eq3A_178 = arith.cmpi eq, %iota3A_175, %broadcast_in_dim3A_177 : vector<16xi32>
    %parallel_loop3A_179 = arith.constant 0 : i32
    %parallel_loop3A_180 = arith.constant 16 : i32
    %parallel_loop3A_181 = arith.constant 1 : i32
    scf.for %parallel_loop3A_611 = %parallel_loop3A_179 to %parallel_loop3A_180 step %parallel_loop3A_181  : i32 {
      %parallel_loop3A_612 = arith.constant 16 : i32
      %parallel_loop3A_613 = arith.muli %parallel_loop3A_611, %parallel_loop3A_612 : i32
      %parallel_loop3A_614 = arith.index_cast %parallel_loop3A_613 : i32 to index
      %parallel_loop3A_615 = tpu.vector_load %arg6[%parallel_loop3A_614] {strides = array<i32>} : memref<256xi32, #tpu.memory_space<vmem>>, vector<16xi32>,
      %parallel_loop3A_616 = arith.constant 15 : i32
      %parallel_loop3A_617 = vector.broadcast %parallel_loop3A_616 : i32 to vector<16xi32>
      %parallel_loop3A_618 = tpu.iota {dimensions = array<i32: 0>} : vector<16xi32>
      %parallel_loop3A_619 = arith.subi %parallel_loop3A_617, %parallel_loop3A_618 : vector<16xi32>
      %parallel_loop3A_620 = tpu.dynamic_gather %parallel_loop3A_615[%parallel_loop3A_619] in [0] : vector<16xi32>, vector<16xi32> -> vector<16xi32>
      %parallel_loop3A_621 = arith.constant true
      %parallel_loop3A_622 = vector.broadcast %parallel_loop3A_621 : i1 to vector<16xi1>
      %parallel_loop3A_623 = tpu.scan <sum>, %parallel_loop3A_620 masked %parallel_loop3A_622 : vector<16xi32>, vector<16xi1> -> vector<16xi32>
      %parallel_loop3A_624 = arith.constant 15 : i32
      %parallel_loop3A_625 = vector.broadcast %parallel_loop3A_624 : i32 to vector<16xi32>
      %parallel_loop3A_626 = tpu.iota {dimensions = array<i32: 0>} : vector<16xi32>
      %parallel_loop3A_627 = arith.subi %parallel_loop3A_625, %parallel_loop3A_626 : vector<16xi32>
      %parallel_loop3A_628 = tpu.dynamic_gather %parallel_loop3A_623[%parallel_loop3A_627] in [0] : vector<16xi32>, vector<16xi32> -> vector<16xi32>
      %parallel_loop3A_629 = arith.constant 16 : i32
      %parallel_loop3A_630 = arith.muli %parallel_loop3A_611, %parallel_loop3A_629 : i32
      %parallel_loop3A_631 = arith.index_cast %parallel_loop3A_630 : i32 to index
      %parallel_loop3A_632 = tpu.vector_load %arg7[%parallel_loop3A_631] {strides = array<i32>} : memref<256xi32, #tpu.memory_space<vmem>>, vector<16xi32>,
      tpu.vector_store %arg7[%parallel_loop3A_631], %parallel_loop3A_628 {strides = array<i32>} : memref<256xi32, #tpu.memory_space<vmem>>, vector<16xi32>,
      %parallel_loop3A_633 = vector.broadcast %parallel_loop3A_611 : i32 to vector<16xi32>
      tpu.vector_store_idx %arg8[%parallel_loop3A_633], %parallel_loop3A_628 masked %eq3A_178 : memref<16xi32, #tpu.memory_space<vmem>>[vector<16xi32>], vector<16xi32>, vector<16xi1>
    } {sc.loop_unroll_factor = 4 : i64, sc.parallel_access}
    %get3A_182 = arith.constant 0 : index
    %get3A_183 = tpu.vector_load %arg8[%get3A_182] {strides = array<i32>} : memref<16xi32, #tpu.memory_space<vmem>>, vector<16xi32>,
    %rev3A_184 = arith.constant 15 : i32
    %rev3A_185 = vector.broadcast %rev3A_184 : i32 to vector<16xi32>
    %rev3A_186 = tpu.iota {dimensions = array<i32: 0>} : vector<16xi32>
    %rev3A_187 = arith.subi %rev3A_185, %rev3A_186 : vector<16xi32>
    %rev3A_188 = tpu.dynamic_gather %get3A_183[%rev3A_187] in [0] : vector<16xi32>, vector<16xi32> -> vector<16xi32>
    %cumsum3A_189 = arith.constant true
    %cumsum3A_190 = vector.broadcast %cumsum3A_189 : i1 to vector<16xi1>
    %cumsum3A_191 = tpu.scan <sum>, %rev3A_188 masked %cumsum3A_190 : vector<16xi32>, vector<16xi1> -> vector<16xi32>
    %rev3A_192 = arith.constant 15 : i32
    %rev3A_193 = vector.broadcast %rev3A_192 : i32 to vector<16xi32>
    %rev3A_194 = tpu.iota {dimensions = array<i32: 0>} : vector<16xi32>
    %rev3A_195 = arith.subi %rev3A_193, %rev3A_194 : vector<16xi32>
    %rev3A_196 = tpu.dynamic_gather %cumsum3A_191[%rev3A_195] in [0] : vector<16xi32>, vector<16xi32> -> vector<16xi32>
    %sub3A_197 = arith.subi %rev3A_196, %get3A_183 : vector<16xi32>
    %broadcast_in_dim3A_198 = vector.broadcast %sub3A_134 : i32 to vector<16xi32>
    %ge3A_199 = arith.cmpi sge, %rev3A_196, %broadcast_in_dim3A_198 : vector<16xi32>
    %broadcast_in_dim3A_200 = arith.constant -1 : i32
    %broadcast_in_dim3A_201 = vector.broadcast %broadcast_in_dim3A_200 : i32 to vector<16xi32>
    %select_n3A_202 = arith.select %ge3A_199, %iota3A_175, %broadcast_in_dim3A_201 : vector<16xi1>, vector<16xi32>
    %reduce_max3A_203 = arith.constant true
    %reduce_max3A_204 = vector.broadcast %reduce_max3A_203 : i1 to vector<16xi1>
    %reduce_max3A_205 = arith.constant -2147483648 : i32
    %reduce_max3A_206 = vector.broadcast %reduce_max3A_205 : i32 to vector<16xi32>
    %reduce_max3A_207 = arith.xori %select_n3A_202, %reduce_max3A_206 : vector<16xi32>
    %reduce_max3A_208 = tpu.scan <max>, %reduce_max3A_207 masked %reduce_max3A_204 : vector<16xi32>, vector<16xi1> -> vector<16xi32>
    %reduce_max3A_209 = arith.xori %reduce_max3A_208, %reduce_max3A_206 : vector<16xi32>
    %reduce_max3A_210 = vector.extract %reduce_max3A_209[15] : i32 from vector<16xi32>
    %broadcast_in_dim3A_211 = vector.broadcast %reduce_max3A_210 : i32 to vector<16xi32>
    %eq3A_212 = arith.cmpi eq, %iota3A_175, %broadcast_in_dim3A_211 : vector<16xi32>
    %broadcast_in_dim3A_213 = arith.constant -2147483648 : i32
    %broadcast_in_dim3A_214 = vector.broadcast %broadcast_in_dim3A_213 : i32 to vector<16xi32>
    %select_n3A_215 = arith.select %eq3A_212, %sub3A_197, %broadcast_in_dim3A_214 : vector<16xi1>, vector<16xi32>
    %reduce_max3A_216 = arith.constant true
    %reduce_max3A_217 = vector.broadcast %reduce_max3A_216 : i1 to vector<16xi1>
    %reduce_max3A_218 = arith.constant -2147483648 : i32
    %reduce_max3A_219 = vector.broadcast %reduce_max3A_218 : i32 to vector<16xi32>
    %reduce_max3A_220 = arith.xori %select_n3A_215, %reduce_max3A_219 : vector<16xi32>
    %reduce_max3A_221 = tpu.scan <max>, %reduce_max3A_220 masked %reduce_max3A_217 : vector<16xi32>, vector<16xi1> -> vector<16xi32>
    %reduce_max3A_222 = arith.xori %reduce_max3A_221, %reduce_max3A_219 : vector<16xi32>
    %reduce_max3A_223 = vector.extract %reduce_max3A_222[15] : i32 from vector<16xi32>
    %mul3A_224 = arith.constant 16 : i32
    %mul3A_225 = arith.muli %reduce_max3A_210, %mul3A_224 : i32
    %get3A_226 = arith.index_cast %mul3A_225 : i32 to index
    %get3A_227 = tpu.vector_load %arg7[%get3A_226] {strides = array<i32>} : memref<256xi32, #tpu.memory_space<vmem>>, vector<16xi32>,
    %broadcast_in_dim3A_228 = vector.broadcast %reduce_max3A_223 : i32 to vector<16xi32>
    %add3A_229 = arith.addi %get3A_227, %broadcast_in_dim3A_228 : vector<16xi32>
    %mul3A_230 = arith.constant 16 : i32
    %mul3A_231 = arith.muli %reduce_max3A_210, %mul3A_230 : i32
    %get3A_232 = arith.index_cast %mul3A_231 : i32 to index
    %get3A_233 = tpu.vector_load %arg6[%get3A_232] {strides = array<i32>} : memref<256xi32, #tpu.memory_space<vmem>>, vector<16xi32>,
    %mul3A_234 = arith.constant 16 : i32
    %mul3A_235 = arith.muli %reduce_max3A_210, %mul3A_234 : i32
    %add3A_236 = vector.broadcast %mul3A_235 : i32 to vector<16xi32>
    %add3A_237 = arith.addi %iota3A_175, %add3A_236 : vector<16xi32>
    %ge3A_238 = arith.cmpi sge, %add3A_229, %broadcast_in_dim3A_198 : vector<16xi32>
    %broadcast_in_dim3A_239 = arith.constant -1 : i32
    %broadcast_in_dim3A_240 = vector.broadcast %broadcast_in_dim3A_239 : i32 to vector<16xi32>
    %select_n3A_241 = arith.select %ge3A_238, %add3A_237, %broadcast_in_dim3A_240 : vector<16xi1>, vector<16xi32>
    %reduce_max3A_242 = arith.constant true
    %reduce_max3A_243 = vector.broadcast %reduce_max3A_242 : i1 to vector<16xi1>
    %reduce_max3A_244 = arith.constant -2147483648 : i32
    %reduce_max3A_245 = vector.broadcast %reduce_max3A_244 : i32 to vector<16xi32>
    %reduce_max3A_246 = arith.xori %select_n3A_241, %reduce_max3A_245 : vector<16xi32>
    %reduce_max3A_247 = tpu.scan <max>, %reduce_max3A_246 masked %reduce_max3A_243 : vector<16xi32>, vector<16xi1> -> vector<16xi32>
    %reduce_max3A_248 = arith.xori %reduce_max3A_247, %reduce_max3A_245 : vector<16xi32>
    %reduce_max3A_249 = vector.extract %reduce_max3A_248[15] : i32 from vector<16xi32>
    %broadcast_in_dim3A_250 = vector.broadcast %reduce_max3A_249 : i32 to vector<16xi32>
    %eq3A_251 = arith.cmpi eq, %add3A_237, %broadcast_in_dim3A_250 : vector<16xi32>
    %sub3A_252 = arith.subi %add3A_229, %get3A_233 : vector<16xi32>
    %broadcast_in_dim3A_253 = arith.constant -1 : i32
    %broadcast_in_dim3A_254 = vector.broadcast %broadcast_in_dim3A_253 : i32 to vector<16xi32>
    %select_n3A_255 = arith.select %eq3A_251, %sub3A_252, %broadcast_in_dim3A_254 : vector<16xi1>, vector<16xi32>
    %reduce_max3A_256 = arith.constant true
    %reduce_max3A_257 = vector.broadcast %reduce_max3A_256 : i1 to vector<16xi1>
    %reduce_max3A_258 = arith.constant -2147483648 : i32
    %reduce_max3A_259 = vector.broadcast %reduce_max3A_258 : i32 to vector<16xi32>
    %reduce_max3A_260 = arith.xori %select_n3A_255, %reduce_max3A_259 : vector<16xi32>
    %reduce_max3A_261 = tpu.scan <max>, %reduce_max3A_260 masked %reduce_max3A_257 : vector<16xi32>, vector<16xi1> -> vector<16xi32>
    %reduce_max3A_262 = arith.xori %reduce_max3A_261, %reduce_max3A_259 : vector<16xi32>
    %reduce_max3A_263 = vector.extract %reduce_max3A_262[15] : i32 from vector<16xi32>
    %broadcast_in_dim3A_264 = arith.constant -1 : i32
    %broadcast_in_dim3A_265 = vector.broadcast %broadcast_in_dim3A_264 : i32 to vector<16xi32>
    %select_n3A_266 = arith.select %eq3A_251, %get3A_233, %broadcast_in_dim3A_265 : vector<16xi1>, vector<16xi32>
    %reduce_max3A_267 = arith.constant true
    %reduce_max3A_268 = vector.broadcast %reduce_max3A_267 : i1 to vector<16xi1>
    %reduce_max3A_269 = arith.constant -2147483648 : i32
    %reduce_max3A_270 = vector.broadcast %reduce_max3A_269 : i32 to vector<16xi32>
    %reduce_max3A_271 = arith.xori %select_n3A_266, %reduce_max3A_270 : vector<16xi32>
    %reduce_max3A_272 = tpu.scan <max>, %reduce_max3A_271 masked %reduce_max3A_268 : vector<16xi32>, vector<16xi1> -> vector<16xi32>
    %reduce_max3A_273 = arith.xori %reduce_max3A_272, %reduce_max3A_270 : vector<16xi32>
    %reduce_max3A_274 = vector.extract %reduce_max3A_273[15] : i32 from vector<16xi32>
    %sub3A_275 = arith.subi %sub3A_134, %reduce_max3A_263 : i32
    %shift_left3A = arith.constant 8 : i32
    %shift_left3A_276 = arith.shli %sub3A_136, %shift_left3A : i32
    %or3A = arith.ori %shift_left3A_276, %reduce_max3A_249 : i32
    %broadcast_in_dim3A_277 = arith.constant 0 : i32
    %broadcast_in_dim3A_278 = vector.broadcast %broadcast_in_dim3A_277 : i32 to vector<16xi32>
    %swap3A_279 = arith.constant 0 : index
    %swap3A_280 = tpu.vector_load %arg6[%swap3A_279] {strides = array<i32>} : memref<256xi32, #tpu.memory_space<vmem>>, vector<16xi32>,
    tpu.vector_store %arg6[%swap3A_279], %broadcast_in_dim3A_278 {strides = array<i32>} : memref<256xi32, #tpu.memory_space<vmem>>, vector<16xi32>,
    %swap3A_281 = arith.constant 16 : index
    %swap3A_282 = tpu.vector_load %arg6[%swap3A_281] {strides = array<i32>} : memref<256xi32, #tpu.memory_space<vmem>>, vector<16xi32>,
    tpu.vector_store %arg6[%swap3A_281], %broadcast_in_dim3A_278 {strides = array<i32>} : memref<256xi32, #tpu.memory_space<vmem>>, vector<16xi32>,
    %swap3A_283 = arith.constant 32 : index
    %swap3A_284 = tpu.vector_load %arg6[%swap3A_283] {strides = array<i32>} : memref<256xi32, #tpu.memory_space<vmem>>, vector<16xi32>,
    tpu.vector_store %arg6[%swap3A_283], %broadcast_in_dim3A_278 {strides = array<i32>} : memref<256xi32, #tpu.memory_space<vmem>>, vector<16xi32>,
    %swap3A_285 = arith.constant 48 : index
    %swap3A_286 = tpu.vector_load %arg6[%swap3A_285] {strides = array<i32>} : memref<256xi32, #tpu.memory_space<vmem>>, vector<16xi32>,
    tpu.vector_store %arg6[%swap3A_285], %broadcast_in_dim3A_278 {strides = array<i32>} : memref<256xi32, #tpu.memory_space<vmem>>, vector<16xi32>,
    %swap3A_287 = arith.constant 64 : index
    %swap3A_288 = tpu.vector_load %arg6[%swap3A_287] {strides = array<i32>} : memref<256xi32, #tpu.memory_space<vmem>>, vector<16xi32>,
    tpu.vector_store %arg6[%swap3A_287], %broadcast_in_dim3A_278 {strides = array<i32>} : memref<256xi32, #tpu.memory_space<vmem>>, vector<16xi32>,
    %swap3A_289 = arith.constant 80 : index
    %swap3A_290 = tpu.vector_load %arg6[%swap3A_289] {strides = array<i32>} : memref<256xi32, #tpu.memory_space<vmem>>, vector<16xi32>,
    tpu.vector_store %arg6[%swap3A_289], %broadcast_in_dim3A_278 {strides = array<i32>} : memref<256xi32, #tpu.memory_space<vmem>>, vector<16xi32>,
    %swap3A_291 = arith.constant 96 : index
    %swap3A_292 = tpu.vector_load %arg6[%swap3A_291] {strides = array<i32>} : memref<256xi32, #tpu.memory_space<vmem>>, vector<16xi32>,
    tpu.vector_store %arg6[%swap3A_291], %broadcast_in_dim3A_278 {strides = array<i32>} : memref<256xi32, #tpu.memory_space<vmem>>, vector<16xi32>,
    %swap3A_293 = arith.constant 112 : index
    %swap3A_294 = tpu.vector_load %arg6[%swap3A_293] {strides = array<i32>} : memref<256xi32, #tpu.memory_space<vmem>>, vector<16xi32>,
    tpu.vector_store %arg6[%swap3A_293], %broadcast_in_dim3A_278 {strides = array<i32>} : memref<256xi32, #tpu.memory_space<vmem>>, vector<16xi32>,
    %swap3A_295 = arith.constant 128 : index
    %swap3A_296 = tpu.vector_load %arg6[%swap3A_295] {strides = array<i32>} : memref<256xi32, #tpu.memory_space<vmem>>, vector<16xi32>,
    tpu.vector_store %arg6[%swap3A_295], %broadcast_in_dim3A_278 {strides = array<i32>} : memref<256xi32, #tpu.memory_space<vmem>>, vector<16xi32>,
    %swap3A_297 = arith.constant 144 : index
    %swap3A_298 = tpu.vector_load %arg6[%swap3A_297] {strides = array<i32>} : memref<256xi32, #tpu.memory_space<vmem>>, vector<16xi32>,
    tpu.vector_store %arg6[%swap3A_297], %broadcast_in_dim3A_278 {strides = array<i32>} : memref<256xi32, #tpu.memory_space<vmem>>, vector<16xi32>,
    %swap3A_299 = arith.constant 160 : index
    %swap3A_300 = tpu.vector_load %arg6[%swap3A_299] {strides = array<i32>} : memref<256xi32, #tpu.memory_space<vmem>>, vector<16xi32>,
    tpu.vector_store %arg6[%swap3A_299], %broadcast_in_dim3A_278 {strides = array<i32>} : memref<256xi32, #tpu.memory_space<vmem>>, vector<16xi32>,
    %swap3A_301 = arith.constant 176 : index
    %swap3A_302 = tpu.vector_load %arg6[%swap3A_301] {strides = array<i32>} : memref<256xi32, #tpu.memory_space<vmem>>, vector<16xi32>,
    tpu.vector_store %arg6[%swap3A_301], %broadcast_in_dim3A_278 {strides = array<i32>} : memref<256xi32, #tpu.memory_space<vmem>>, vector<16xi32>,
    %swap3A_303 = arith.constant 192 : index
    %swap3A_304 = tpu.vector_load %arg6[%swap3A_303] {strides = array<i32>} : memref<256xi32, #tpu.memory_space<vmem>>, vector<16xi32>,
    tpu.vector_store %arg6[%swap3A_303], %broadcast_in_dim3A_278 {strides = array<i32>} : memref<256xi32, #tpu.memory_space<vmem>>, vector<16xi32>,
    %swap3A_305 = arith.constant 208 : index
    %swap3A_306 = tpu.vector_load %arg6[%swap3A_305] {strides = array<i32>} : memref<256xi32, #tpu.memory_space<vmem>>, vector<16xi32>,
    tpu.vector_store %arg6[%swap3A_305], %broadcast_in_dim3A_278 {strides = array<i32>} : memref<256xi32, #tpu.memory_space<vmem>>, vector<16xi32>,
    %swap3A_307 = arith.constant 224 : index
    %swap3A_308 = tpu.vector_load %arg6[%swap3A_307] {strides = array<i32>} : memref<256xi32, #tpu.memory_space<vmem>>, vector<16xi32>,
    tpu.vector_store %arg6[%swap3A_307], %broadcast_in_dim3A_278 {strides = array<i32>} : memref<256xi32, #tpu.memory_space<vmem>>, vector<16xi32>,
    %swap3A_309 = arith.constant 240 : index
    %swap3A_310 = tpu.vector_load %arg6[%swap3A_309] {strides = array<i32>} : memref<256xi32, #tpu.memory_space<vmem>>, vector<16xi32>,
    tpu.vector_store %arg6[%swap3A_309], %broadcast_in_dim3A_278 {strides = array<i32>} : memref<256xi32, #tpu.memory_space<vmem>>, vector<16xi32>,
    %broadcast_in_dim3A_311 = vector.broadcast %or3A : i32 to vector<16xi32>
    %parallel_loop3A_312 = arith.constant 0 : i32
    %parallel_loop3A_313 = arith.constant 512 : i32
    %parallel_loop3A_314 = arith.constant 1 : i32
    scf.for %parallel_loop3A_611 = %parallel_loop3A_312 to %parallel_loop3A_313 step %parallel_loop3A_314  : i32 {
      %parallel_loop3A_612 = arith.constant 16 : i32
      %parallel_loop3A_613 = arith.muli %parallel_loop3A_611, %parallel_loop3A_612 : i32
      %parallel_loop3A_614 = arith.constant 0 : i32
      %parallel_loop3A_615 = arith.index_cast %parallel_loop3A_614 : i32 to index
      %parallel_loop3A_616 = arith.index_cast %parallel_loop3A_613 : i32 to index
      %parallel_loop3A_617 = tpu.vector_load %arg5[%parallel_loop3A_615, %parallel_loop3A_616] {strides = array<i32>} : memref<1x8192xi32, #tpu.memory_space<vmem>>, vector<16xi32>,
      %parallel_loop3A_618 = arith.constant 16 : i32
      %parallel_loop3A_619 = vector.broadcast %parallel_loop3A_618 : i32 to vector<16xi32>
      %parallel_loop3A_620 = arith.shrsi %parallel_loop3A_617, %parallel_loop3A_619 : vector<16xi32>
      %parallel_loop3A_621 = arith.cmpi eq, %parallel_loop3A_620, %broadcast_in_dim3A_311 : vector<16xi32>
      %parallel_loop3A_622 = arith.constant 8 : i32
      %parallel_loop3A_623 = vector.broadcast %parallel_loop3A_622 : i32 to vector<16xi32>
      %parallel_loop3A_624 = arith.shrsi %parallel_loop3A_617, %parallel_loop3A_623 : vector<16xi32>
      %parallel_loop3A_625 = arith.constant 255 : i32
      %parallel_loop3A_626 = vector.broadcast %parallel_loop3A_625 : i32 to vector<16xi32>
      %parallel_loop3A_627 = arith.andi %parallel_loop3A_624, %parallel_loop3A_626 : vector<16xi32>
      tpu.vector_store_idx %arg6[%parallel_loop3A_627], %broadcast_in_dim3A_5 masked %parallel_loop3A_621 {add = true} : memref<256xi32, #tpu.memory_space<vmem>>[vector<16xi32>], vector<16xi32>, vector<16xi1>
    } {sc.loop_unroll_factor = 8 : i64, sc.parallel_access}
    %iota3A_315 = tpu.iota {dimensions = array<i32: 0>} : vector<16xi32>
    %broadcast_in_dim3A_316 = arith.constant 0 : i32
    %broadcast_in_dim3A_317 = vector.broadcast %broadcast_in_dim3A_316 : i32 to vector<16xi32>
    %eq3A_318 = arith.cmpi eq, %iota3A_315, %broadcast_in_dim3A_317 : vector<16xi32>
    %parallel_loop3A_319 = arith.constant 0 : i32
    %parallel_loop3A_320 = arith.constant 16 : i32
    %parallel_loop3A_321 = arith.constant 1 : i32
    scf.for %parallel_loop3A_611 = %parallel_loop3A_319 to %parallel_loop3A_320 step %parallel_loop3A_321  : i32 {
      %parallel_loop3A_612 = arith.constant 16 : i32
      %parallel_loop3A_613 = arith.muli %parallel_loop3A_611, %parallel_loop3A_612 : i32
      %parallel_loop3A_614 = arith.index_cast %parallel_loop3A_613 : i32 to index
      %parallel_loop3A_615 = tpu.vector_load %arg6[%parallel_loop3A_614] {strides = array<i32>} : memref<256xi32, #tpu.memory_space<vmem>>, vector<16xi32>,
      %parallel_loop3A_616 = arith.constant 15 : i32
      %parallel_loop3A_617 = vector.broadcast %parallel_loop3A_616 : i32 to vector<16xi32>
      %parallel_loop3A_618 = tpu.iota {dimensions = array<i32: 0>} : vector<16xi32>
      %parallel_loop3A_619 = arith.subi %parallel_loop3A_617, %parallel_loop3A_618 : vector<16xi32>
      %parallel_loop3A_620 = tpu.dynamic_gather %parallel_loop3A_615[%parallel_loop3A_619] in [0] : vector<16xi32>, vector<16xi32> -> vector<16xi32>
      %parallel_loop3A_621 = arith.constant true
      %parallel_loop3A_622 = vector.broadcast %parallel_loop3A_621 : i1 to vector<16xi1>
      %parallel_loop3A_623 = tpu.scan <sum>, %parallel_loop3A_620 masked %parallel_loop3A_622 : vector<16xi32>, vector<16xi1> -> vector<16xi32>
      %parallel_loop3A_624 = arith.constant 15 : i32
      %parallel_loop3A_625 = vector.broadcast %parallel_loop3A_624 : i32 to vector<16xi32>
      %parallel_loop3A_626 = tpu.iota {dimensions = array<i32: 0>} : vector<16xi32>
      %parallel_loop3A_627 = arith.subi %parallel_loop3A_625, %parallel_loop3A_626 : vector<16xi32>
      %parallel_loop3A_628 = tpu.dynamic_gather %parallel_loop3A_623[%parallel_loop3A_627] in [0] : vector<16xi32>, vector<16xi32> -> vector<16xi32>
      %parallel_loop3A_629 = arith.constant 16 : i32
      %parallel_loop3A_630 = arith.muli %parallel_loop3A_611, %parallel_loop3A_629 : i32
      %parallel_loop3A_631 = arith.index_cast %parallel_loop3A_630 : i32 to index
      %parallel_loop3A_632 = tpu.vector_load %arg7[%parallel_loop3A_631] {strides = array<i32>} : memref<256xi32, #tpu.memory_space<vmem>>, vector<16xi32>,
      tpu.vector_store %arg7[%parallel_loop3A_631], %parallel_loop3A_628 {strides = array<i32>} : memref<256xi32, #tpu.memory_space<vmem>>, vector<16xi32>,
      %parallel_loop3A_633 = vector.broadcast %parallel_loop3A_611 : i32 to vector<16xi32>
      tpu.vector_store_idx %arg8[%parallel_loop3A_633], %parallel_loop3A_628 masked %eq3A_318 : memref<16xi32, #tpu.memory_space<vmem>>[vector<16xi32>], vector<16xi32>, vector<16xi1>
    } {sc.loop_unroll_factor = 4 : i64, sc.parallel_access}
    %get3A_322 = arith.constant 0 : index
    %get3A_323 = tpu.vector_load %arg8[%get3A_322] {strides = array<i32>} : memref<16xi32, #tpu.memory_space<vmem>>, vector<16xi32>,
    %rev3A_324 = arith.constant 15 : i32
    %rev3A_325 = vector.broadcast %rev3A_324 : i32 to vector<16xi32>
    %rev3A_326 = tpu.iota {dimensions = array<i32: 0>} : vector<16xi32>
    %rev3A_327 = arith.subi %rev3A_325, %rev3A_326 : vector<16xi32>
    %rev3A_328 = tpu.dynamic_gather %get3A_323[%rev3A_327] in [0] : vector<16xi32>, vector<16xi32> -> vector<16xi32>
    %cumsum3A_329 = arith.constant true
    %cumsum3A_330 = vector.broadcast %cumsum3A_329 : i1 to vector<16xi1>
    %cumsum3A_331 = tpu.scan <sum>, %rev3A_328 masked %cumsum3A_330 : vector<16xi32>, vector<16xi1> -> vector<16xi32>
    %rev3A_332 = arith.constant 15 : i32
    %rev3A_333 = vector.broadcast %rev3A_332 : i32 to vector<16xi32>
    %rev3A_334 = tpu.iota {dimensions = array<i32: 0>} : vector<16xi32>
    %rev3A_335 = arith.subi %rev3A_333, %rev3A_334 : vector<16xi32>
    %rev3A_336 = tpu.dynamic_gather %cumsum3A_331[%rev3A_335] in [0] : vector<16xi32>, vector<16xi32> -> vector<16xi32>
    %sub3A_337 = arith.subi %rev3A_336, %get3A_323 : vector<16xi32>
    %broadcast_in_dim3A_338 = vector.broadcast %sub3A_275 : i32 to vector<16xi32>
    %ge3A_339 = arith.cmpi sge, %rev3A_336, %broadcast_in_dim3A_338 : vector<16xi32>
    %broadcast_in_dim3A_340 = arith.constant -1 : i32
    %broadcast_in_dim3A_341 = vector.broadcast %broadcast_in_dim3A_340 : i32 to vector<16xi32>
    %select_n3A_342 = arith.select %ge3A_339, %iota3A_315, %broadcast_in_dim3A_341 : vector<16xi1>, vector<16xi32>
    %reduce_max3A_343 = arith.constant true
    %reduce_max3A_344 = vector.broadcast %reduce_max3A_343 : i1 to vector<16xi1>
    %reduce_max3A_345 = arith.constant -2147483648 : i32
    %reduce_max3A_346 = vector.broadcast %reduce_max3A_345 : i32 to vector<16xi32>
    %reduce_max3A_347 = arith.xori %select_n3A_342, %reduce_max3A_346 : vector<16xi32>
    %reduce_max3A_348 = tpu.scan <max>, %reduce_max3A_347 masked %reduce_max3A_344 : vector<16xi32>, vector<16xi1> -> vector<16xi32>
    %reduce_max3A_349 = arith.xori %reduce_max3A_348, %reduce_max3A_346 : vector<16xi32>
    %reduce_max3A_350 = vector.extract %reduce_max3A_349[15] : i32 from vector<16xi32>
    %broadcast_in_dim3A_351 = vector.broadcast %reduce_max3A_350 : i32 to vector<16xi32>
    %eq3A_352 = arith.cmpi eq, %iota3A_315, %broadcast_in_dim3A_351 : vector<16xi32>
    %broadcast_in_dim3A_353 = arith.constant -2147483648 : i32
    %broadcast_in_dim3A_354 = vector.broadcast %broadcast_in_dim3A_353 : i32 to vector<16xi32>
    %select_n3A_355 = arith.select %eq3A_352, %sub3A_337, %broadcast_in_dim3A_354 : vector<16xi1>, vector<16xi32>
    %reduce_max3A_356 = arith.constant true
    %reduce_max3A_357 = vector.broadcast %reduce_max3A_356 : i1 to vector<16xi1>
    %reduce_max3A_358 = arith.constant -2147483648 : i32
    %reduce_max3A_359 = vector.broadcast %reduce_max3A_358 : i32 to vector<16xi32>
    %reduce_max3A_360 = arith.xori %select_n3A_355, %reduce_max3A_359 : vector<16xi32>
    %reduce_max3A_361 = tpu.scan <max>, %reduce_max3A_360 masked %reduce_max3A_357 : vector<16xi32>, vector<16xi1> -> vector<16xi32>
    %reduce_max3A_362 = arith.xori %reduce_max3A_361, %reduce_max3A_359 : vector<16xi32>
    %reduce_max3A_363 = vector.extract %reduce_max3A_362[15] : i32 from vector<16xi32>
    %mul3A_364 = arith.constant 16 : i32
    %mul3A_365 = arith.muli %reduce_max3A_350, %mul3A_364 : i32
    %get3A_366 = arith.index_cast %mul3A_365 : i32 to index
    %get3A_367 = tpu.vector_load %arg7[%get3A_366] {strides = array<i32>} : memref<256xi32, #tpu.memory_space<vmem>>, vector<16xi32>,
    %broadcast_in_dim3A_368 = vector.broadcast %reduce_max3A_363 : i32 to vector<16xi32>
    %add3A_369 = arith.addi %get3A_367, %broadcast_in_dim3A_368 : vector<16xi32>
    %mul3A_370 = arith.constant 16 : i32
    %mul3A_371 = arith.muli %reduce_max3A_350, %mul3A_370 : i32
    %get3A_372 = arith.index_cast %mul3A_371 : i32 to index
    %get3A_373 = tpu.vector_load %arg6[%get3A_372] {strides = array<i32>} : memref<256xi32, #tpu.memory_space<vmem>>, vector<16xi32>,
    %mul3A_374 = arith.constant 16 : i32
    %mul3A_375 = arith.muli %reduce_max3A_350, %mul3A_374 : i32
    %add3A_376 = vector.broadcast %mul3A_375 : i32 to vector<16xi32>
    %add3A_377 = arith.addi %iota3A_315, %add3A_376 : vector<16xi32>
    %ge3A_378 = arith.cmpi sge, %add3A_369, %broadcast_in_dim3A_338 : vector<16xi32>
    %broadcast_in_dim3A_379 = arith.constant -1 : i32
    %broadcast_in_dim3A_380 = vector.broadcast %broadcast_in_dim3A_379 : i32 to vector<16xi32>
    %select_n3A_381 = arith.select %ge3A_378, %add3A_377, %broadcast_in_dim3A_380 : vector<16xi1>, vector<16xi32>
    %reduce_max3A_382 = arith.constant true
    %reduce_max3A_383 = vector.broadcast %reduce_max3A_382 : i1 to vector<16xi1>
    %reduce_max3A_384 = arith.constant -2147483648 : i32
    %reduce_max3A_385 = vector.broadcast %reduce_max3A_384 : i32 to vector<16xi32>
    %reduce_max3A_386 = arith.xori %select_n3A_381, %reduce_max3A_385 : vector<16xi32>
    %reduce_max3A_387 = tpu.scan <max>, %reduce_max3A_386 masked %reduce_max3A_383 : vector<16xi32>, vector<16xi1> -> vector<16xi32>
    %reduce_max3A_388 = arith.xori %reduce_max3A_387, %reduce_max3A_385 : vector<16xi32>
    %reduce_max3A_389 = vector.extract %reduce_max3A_388[15] : i32 from vector<16xi32>
    %broadcast_in_dim3A_390 = vector.broadcast %reduce_max3A_389 : i32 to vector<16xi32>
    %eq3A_391 = arith.cmpi eq, %add3A_377, %broadcast_in_dim3A_390 : vector<16xi32>
    %sub3A_392 = arith.subi %add3A_369, %get3A_373 : vector<16xi32>
    %broadcast_in_dim3A_393 = arith.constant -1 : i32
    %broadcast_in_dim3A_394 = vector.broadcast %broadcast_in_dim3A_393 : i32 to vector<16xi32>
    %select_n3A_395 = arith.select %eq3A_391, %sub3A_392, %broadcast_in_dim3A_394 : vector<16xi1>, vector<16xi32>
    %reduce_max3A_396 = arith.constant true
    %reduce_max3A_397 = vector.broadcast %reduce_max3A_396 : i1 to vector<16xi1>
    %reduce_max3A_398 = arith.constant -2147483648 : i32
    %reduce_max3A_399 = vector.broadcast %reduce_max3A_398 : i32 to vector<16xi32>
    %reduce_max3A_400 = arith.xori %select_n3A_395, %reduce_max3A_399 : vector<16xi32>
    %reduce_max3A_401 = tpu.scan <max>, %reduce_max3A_400 masked %reduce_max3A_397 : vector<16xi32>, vector<16xi1> -> vector<16xi32>
    %reduce_max3A_402 = arith.xori %reduce_max3A_401, %reduce_max3A_399 : vector<16xi32>
    %reduce_max3A_403 = vector.extract %reduce_max3A_402[15] : i32 from vector<16xi32>
    %broadcast_in_dim3A_404 = arith.constant -1 : i32
    %broadcast_in_dim3A_405 = vector.broadcast %broadcast_in_dim3A_404 : i32 to vector<16xi32>
    %select_n3A_406 = arith.select %eq3A_391, %get3A_373, %broadcast_in_dim3A_405 : vector<16xi1>, vector<16xi32>
    %reduce_max3A_407 = arith.constant true
    %reduce_max3A_408 = vector.broadcast %reduce_max3A_407 : i1 to vector<16xi1>
    %reduce_max3A_409 = arith.constant -2147483648 : i32
    %reduce_max3A_410 = vector.broadcast %reduce_max3A_409 : i32 to vector<16xi32>
    %reduce_max3A_411 = arith.xori %select_n3A_406, %reduce_max3A_410 : vector<16xi32>
    %reduce_max3A_412 = tpu.scan <max>, %reduce_max3A_411 masked %reduce_max3A_408 : vector<16xi32>, vector<16xi1> -> vector<16xi32>
    %reduce_max3A_413 = arith.xori %reduce_max3A_412, %reduce_max3A_410 : vector<16xi32>
    %reduce_max3A_414 = vector.extract %reduce_max3A_413[15] : i32 from vector<16xi32>
    %sub3A_415 = arith.subi %sub3A_275, %reduce_max3A_403 : i32
    %shift_left3A_416 = arith.constant 8 : i32
    %shift_left3A_417 = arith.shli %or3A, %shift_left3A_416 : i32
    %or3A_418 = arith.ori %shift_left3A_417, %reduce_max3A_389 : i32
    %broadcast_in_dim3A_419 = arith.constant 0 : i32
    %broadcast_in_dim3A_420 = vector.broadcast %broadcast_in_dim3A_419 : i32 to vector<16xi32>
    %swap3A_421 = arith.constant 0 : index
    %swap3A_422 = tpu.vector_load %arg6[%swap3A_421] {strides = array<i32>} : memref<256xi32, #tpu.memory_space<vmem>>, vector<16xi32>,
    tpu.vector_store %arg6[%swap3A_421], %broadcast_in_dim3A_420 {strides = array<i32>} : memref<256xi32, #tpu.memory_space<vmem>>, vector<16xi32>,
    %swap3A_423 = arith.constant 16 : index
    %swap3A_424 = tpu.vector_load %arg6[%swap3A_423] {strides = array<i32>} : memref<256xi32, #tpu.memory_space<vmem>>, vector<16xi32>,
    tpu.vector_store %arg6[%swap3A_423], %broadcast_in_dim3A_420 {strides = array<i32>} : memref<256xi32, #tpu.memory_space<vmem>>, vector<16xi32>,
    %swap3A_425 = arith.constant 32 : index
    %swap3A_426 = tpu.vector_load %arg6[%swap3A_425] {strides = array<i32>} : memref<256xi32, #tpu.memory_space<vmem>>, vector<16xi32>,
    tpu.vector_store %arg6[%swap3A_425], %broadcast_in_dim3A_420 {strides = array<i32>} : memref<256xi32, #tpu.memory_space<vmem>>, vector<16xi32>,
    %swap3A_427 = arith.constant 48 : index
    %swap3A_428 = tpu.vector_load %arg6[%swap3A_427] {strides = array<i32>} : memref<256xi32, #tpu.memory_space<vmem>>, vector<16xi32>,
    tpu.vector_store %arg6[%swap3A_427], %broadcast_in_dim3A_420 {strides = array<i32>} : memref<256xi32, #tpu.memory_space<vmem>>, vector<16xi32>,
    %swap3A_429 = arith.constant 64 : index
    %swap3A_430 = tpu.vector_load %arg6[%swap3A_429] {strides = array<i32>} : memref<256xi32, #tpu.memory_space<vmem>>, vector<16xi32>,
    tpu.vector_store %arg6[%swap3A_429], %broadcast_in_dim3A_420 {strides = array<i32>} : memref<256xi32, #tpu.memory_space<vmem>>, vector<16xi32>,
    %swap3A_431 = arith.constant 80 : index
    %swap3A_432 = tpu.vector_load %arg6[%swap3A_431] {strides = array<i32>} : memref<256xi32, #tpu.memory_space<vmem>>, vector<16xi32>,
    tpu.vector_store %arg6[%swap3A_431], %broadcast_in_dim3A_420 {strides = array<i32>} : memref<256xi32, #tpu.memory_space<vmem>>, vector<16xi32>,
    %swap3A_433 = arith.constant 96 : index
    %swap3A_434 = tpu.vector_load %arg6[%swap3A_433] {strides = array<i32>} : memref<256xi32, #tpu.memory_space<vmem>>, vector<16xi32>,
    tpu.vector_store %arg6[%swap3A_433], %broadcast_in_dim3A_420 {strides = array<i32>} : memref<256xi32, #tpu.memory_space<vmem>>, vector<16xi32>,
    %swap3A_435 = arith.constant 112 : index
    %swap3A_436 = tpu.vector_load %arg6[%swap3A_435] {strides = array<i32>} : memref<256xi32, #tpu.memory_space<vmem>>, vector<16xi32>,
    tpu.vector_store %arg6[%swap3A_435], %broadcast_in_dim3A_420 {strides = array<i32>} : memref<256xi32, #tpu.memory_space<vmem>>, vector<16xi32>,
    %swap3A_437 = arith.constant 128 : index
    %swap3A_438 = tpu.vector_load %arg6[%swap3A_437] {strides = array<i32>} : memref<256xi32, #tpu.memory_space<vmem>>, vector<16xi32>,
    tpu.vector_store %arg6[%swap3A_437], %broadcast_in_dim3A_420 {strides = array<i32>} : memref<256xi32, #tpu.memory_space<vmem>>, vector<16xi32>,
    %swap3A_439 = arith.constant 144 : index
    %swap3A_440 = tpu.vector_load %arg6[%swap3A_439] {strides = array<i32>} : memref<256xi32, #tpu.memory_space<vmem>>, vector<16xi32>,
    tpu.vector_store %arg6[%swap3A_439], %broadcast_in_dim3A_420 {strides = array<i32>} : memref<256xi32, #tpu.memory_space<vmem>>, vector<16xi32>,
    %swap3A_441 = arith.constant 160 : index
    %swap3A_442 = tpu.vector_load %arg6[%swap3A_441] {strides = array<i32>} : memref<256xi32, #tpu.memory_space<vmem>>, vector<16xi32>,
    tpu.vector_store %arg6[%swap3A_441], %broadcast_in_dim3A_420 {strides = array<i32>} : memref<256xi32, #tpu.memory_space<vmem>>, vector<16xi32>,
    %swap3A_443 = arith.constant 176 : index
    %swap3A_444 = tpu.vector_load %arg6[%swap3A_443] {strides = array<i32>} : memref<256xi32, #tpu.memory_space<vmem>>, vector<16xi32>,
    tpu.vector_store %arg6[%swap3A_443], %broadcast_in_dim3A_420 {strides = array<i32>} : memref<256xi32, #tpu.memory_space<vmem>>, vector<16xi32>,
    %swap3A_445 = arith.constant 192 : index
    %swap3A_446 = tpu.vector_load %arg6[%swap3A_445] {strides = array<i32>} : memref<256xi32, #tpu.memory_space<vmem>>, vector<16xi32>,
    tpu.vector_store %arg6[%swap3A_445], %broadcast_in_dim3A_420 {strides = array<i32>} : memref<256xi32, #tpu.memory_space<vmem>>, vector<16xi32>,
    %swap3A_447 = arith.constant 208 : index
    %swap3A_448 = tpu.vector_load %arg6[%swap3A_447] {strides = array<i32>} : memref<256xi32, #tpu.memory_space<vmem>>, vector<16xi32>,
    tpu.vector_store %arg6[%swap3A_447], %broadcast_in_dim3A_420 {strides = array<i32>} : memref<256xi32, #tpu.memory_space<vmem>>, vector<16xi32>,
    %swap3A_449 = arith.constant 224 : index
    %swap3A_450 = tpu.vector_load %arg6[%swap3A_449] {strides = array<i32>} : memref<256xi32, #tpu.memory_space<vmem>>, vector<16xi32>,
    tpu.vector_store %arg6[%swap3A_449], %broadcast_in_dim3A_420 {strides = array<i32>} : memref<256xi32, #tpu.memory_space<vmem>>, vector<16xi32>,
    %swap3A_451 = arith.constant 240 : index
    %swap3A_452 = tpu.vector_load %arg6[%swap3A_451] {strides = array<i32>} : memref<256xi32, #tpu.memory_space<vmem>>, vector<16xi32>,
    tpu.vector_store %arg6[%swap3A_451], %broadcast_in_dim3A_420 {strides = array<i32>} : memref<256xi32, #tpu.memory_space<vmem>>, vector<16xi32>,
    %broadcast_in_dim3A_453 = vector.broadcast %or3A_418 : i32 to vector<16xi32>
    %parallel_loop3A_454 = arith.constant 0 : i32
    %parallel_loop3A_455 = arith.constant 512 : i32
    %parallel_loop3A_456 = arith.constant 1 : i32
    scf.for %parallel_loop3A_611 = %parallel_loop3A_454 to %parallel_loop3A_455 step %parallel_loop3A_456  : i32 {
      %parallel_loop3A_612 = arith.constant 16 : i32
      %parallel_loop3A_613 = arith.muli %parallel_loop3A_611, %parallel_loop3A_612 : i32
      %parallel_loop3A_614 = arith.constant 0 : i32
      %parallel_loop3A_615 = arith.index_cast %parallel_loop3A_614 : i32 to index
      %parallel_loop3A_616 = arith.index_cast %parallel_loop3A_613 : i32 to index
      %parallel_loop3A_617 = tpu.vector_load %arg5[%parallel_loop3A_615, %parallel_loop3A_616] {strides = array<i32>} : memref<1x8192xi32, #tpu.memory_space<vmem>>, vector<16xi32>,
      %parallel_loop3A_618 = arith.constant 8 : i32
      %parallel_loop3A_619 = vector.broadcast %parallel_loop3A_618 : i32 to vector<16xi32>
      %parallel_loop3A_620 = arith.shrsi %parallel_loop3A_617, %parallel_loop3A_619 : vector<16xi32>
      %parallel_loop3A_621 = arith.cmpi eq, %parallel_loop3A_620, %broadcast_in_dim3A_453 : vector<16xi32>
      %parallel_loop3A_622 = arith.constant 0 : i32
      %parallel_loop3A_623 = vector.broadcast %parallel_loop3A_622 : i32 to vector<16xi32>
      %parallel_loop3A_624 = arith.shrsi %parallel_loop3A_617, %parallel_loop3A_623 : vector<16xi32>
      %parallel_loop3A_625 = arith.constant 255 : i32
      %parallel_loop3A_626 = vector.broadcast %parallel_loop3A_625 : i32 to vector<16xi32>
      %parallel_loop3A_627 = arith.andi %parallel_loop3A_624, %parallel_loop3A_626 : vector<16xi32>
      tpu.vector_store_idx %arg6[%parallel_loop3A_627], %broadcast_in_dim3A_5 masked %parallel_loop3A_621 {add = true} : memref<256xi32, #tpu.memory_space<vmem>>[vector<16xi32>], vector<16xi32>, vector<16xi1>
    } {sc.loop_unroll_factor = 8 : i64, sc.parallel_access}
    %iota3A_457 = tpu.iota {dimensions = array<i32: 0>} : vector<16xi32>
    %broadcast_in_dim3A_458 = arith.constant 0 : i32
    %broadcast_in_dim3A_459 = vector.broadcast %broadcast_in_dim3A_458 : i32 to vector<16xi32>
    %eq3A_460 = arith.cmpi eq, %iota3A_457, %broadcast_in_dim3A_459 : vector<16xi32>
    %parallel_loop3A_461 = arith.constant 0 : i32
    %parallel_loop3A_462 = arith.constant 16 : i32
    %parallel_loop3A_463 = arith.constant 1 : i32
    scf.for %parallel_loop3A_611 = %parallel_loop3A_461 to %parallel_loop3A_462 step %parallel_loop3A_463  : i32 {
      %parallel_loop3A_612 = arith.constant 16 : i32
      %parallel_loop3A_613 = arith.muli %parallel_loop3A_611, %parallel_loop3A_612 : i32
      %parallel_loop3A_614 = arith.index_cast %parallel_loop3A_613 : i32 to index
      %parallel_loop3A_615 = tpu.vector_load %arg6[%parallel_loop3A_614] {strides = array<i32>} : memref<256xi32, #tpu.memory_space<vmem>>, vector<16xi32>,
      %parallel_loop3A_616 = arith.constant 15 : i32
      %parallel_loop3A_617 = vector.broadcast %parallel_loop3A_616 : i32 to vector<16xi32>
      %parallel_loop3A_618 = tpu.iota {dimensions = array<i32: 0>} : vector<16xi32>
      %parallel_loop3A_619 = arith.subi %parallel_loop3A_617, %parallel_loop3A_618 : vector<16xi32>
      %parallel_loop3A_620 = tpu.dynamic_gather %parallel_loop3A_615[%parallel_loop3A_619] in [0] : vector<16xi32>, vector<16xi32> -> vector<16xi32>
      %parallel_loop3A_621 = arith.constant true
      %parallel_loop3A_622 = vector.broadcast %parallel_loop3A_621 : i1 to vector<16xi1>
      %parallel_loop3A_623 = tpu.scan <sum>, %parallel_loop3A_620 masked %parallel_loop3A_622 : vector<16xi32>, vector<16xi1> -> vector<16xi32>
      %parallel_loop3A_624 = arith.constant 15 : i32
      %parallel_loop3A_625 = vector.broadcast %parallel_loop3A_624 : i32 to vector<16xi32>
      %parallel_loop3A_626 = tpu.iota {dimensions = array<i32: 0>} : vector<16xi32>
      %parallel_loop3A_627 = arith.subi %parallel_loop3A_625, %parallel_loop3A_626 : vector<16xi32>
      %parallel_loop3A_628 = tpu.dynamic_gather %parallel_loop3A_623[%parallel_loop3A_627] in [0] : vector<16xi32>, vector<16xi32> -> vector<16xi32>
      %parallel_loop3A_629 = arith.constant 16 : i32
      %parallel_loop3A_630 = arith.muli %parallel_loop3A_611, %parallel_loop3A_629 : i32
      %parallel_loop3A_631 = arith.index_cast %parallel_loop3A_630 : i32 to index
      %parallel_loop3A_632 = tpu.vector_load %arg7[%parallel_loop3A_631] {strides = array<i32>} : memref<256xi32, #tpu.memory_space<vmem>>, vector<16xi32>,
      tpu.vector_store %arg7[%parallel_loop3A_631], %parallel_loop3A_628 {strides = array<i32>} : memref<256xi32, #tpu.memory_space<vmem>>, vector<16xi32>,
      %parallel_loop3A_633 = vector.broadcast %parallel_loop3A_611 : i32 to vector<16xi32>
      tpu.vector_store_idx %arg8[%parallel_loop3A_633], %parallel_loop3A_628 masked %eq3A_460 : memref<16xi32, #tpu.memory_space<vmem>>[vector<16xi32>], vector<16xi32>, vector<16xi1>
    } {sc.loop_unroll_factor = 4 : i64, sc.parallel_access}
    %get3A_464 = arith.constant 0 : index
    %get3A_465 = tpu.vector_load %arg8[%get3A_464] {strides = array<i32>} : memref<16xi32, #tpu.memory_space<vmem>>, vector<16xi32>,
    %rev3A_466 = arith.constant 15 : i32
    %rev3A_467 = vector.broadcast %rev3A_466 : i32 to vector<16xi32>
    %rev3A_468 = tpu.iota {dimensions = array<i32: 0>} : vector<16xi32>
    %rev3A_469 = arith.subi %rev3A_467, %rev3A_468 : vector<16xi32>
    %rev3A_470 = tpu.dynamic_gather %get3A_465[%rev3A_469] in [0] : vector<16xi32>, vector<16xi32> -> vector<16xi32>
    %cumsum3A_471 = arith.constant true
    %cumsum3A_472 = vector.broadcast %cumsum3A_471 : i1 to vector<16xi1>
    %cumsum3A_473 = tpu.scan <sum>, %rev3A_470 masked %cumsum3A_472 : vector<16xi32>, vector<16xi1> -> vector<16xi32>
    %rev3A_474 = arith.constant 15 : i32
    %rev3A_475 = vector.broadcast %rev3A_474 : i32 to vector<16xi32>
    %rev3A_476 = tpu.iota {dimensions = array<i32: 0>} : vector<16xi32>
    %rev3A_477 = arith.subi %rev3A_475, %rev3A_476 : vector<16xi32>
    %rev3A_478 = tpu.dynamic_gather %cumsum3A_473[%rev3A_477] in [0] : vector<16xi32>, vector<16xi32> -> vector<16xi32>
    %sub3A_479 = arith.subi %rev3A_478, %get3A_465 : vector<16xi32>
    %broadcast_in_dim3A_480 = vector.broadcast %sub3A_415 : i32 to vector<16xi32>
    %ge3A_481 = arith.cmpi sge, %rev3A_478, %broadcast_in_dim3A_480 : vector<16xi32>
    %broadcast_in_dim3A_482 = arith.constant -1 : i32
    %broadcast_in_dim3A_483 = vector.broadcast %broadcast_in_dim3A_482 : i32 to vector<16xi32>
    %select_n3A_484 = arith.select %ge3A_481, %iota3A_457, %broadcast_in_dim3A_483 : vector<16xi1>, vector<16xi32>
    %reduce_max3A_485 = arith.constant true
    %reduce_max3A_486 = vector.broadcast %reduce_max3A_485 : i1 to vector<16xi1>
    %reduce_max3A_487 = arith.constant -2147483648 : i32
    %reduce_max3A_488 = vector.broadcast %reduce_max3A_487 : i32 to vector<16xi32>
    %reduce_max3A_489 = arith.xori %select_n3A_484, %reduce_max3A_488 : vector<16xi32>
    %reduce_max3A_490 = tpu.scan <max>, %reduce_max3A_489 masked %reduce_max3A_486 : vector<16xi32>, vector<16xi1> -> vector<16xi32>
    %reduce_max3A_491 = arith.xori %reduce_max3A_490, %reduce_max3A_488 : vector<16xi32>
    %reduce_max3A_492 = vector.extract %reduce_max3A_491[15] : i32 from vector<16xi32>
    %broadcast_in_dim3A_493 = vector.broadcast %reduce_max3A_492 : i32 to vector<16xi32>
    %eq3A_494 = arith.cmpi eq, %iota3A_457, %broadcast_in_dim3A_493 : vector<16xi32>
    %broadcast_in_dim3A_495 = arith.constant -2147483648 : i32
    %broadcast_in_dim3A_496 = vector.broadcast %broadcast_in_dim3A_495 : i32 to vector<16xi32>
    %select_n3A_497 = arith.select %eq3A_494, %sub3A_479, %broadcast_in_dim3A_496 : vector<16xi1>, vector<16xi32>
    %reduce_max3A_498 = arith.constant true
    %reduce_max3A_499 = vector.broadcast %reduce_max3A_498 : i1 to vector<16xi1>
    %reduce_max3A_500 = arith.constant -2147483648 : i32
    %reduce_max3A_501 = vector.broadcast %reduce_max3A_500 : i32 to vector<16xi32>
    %reduce_max3A_502 = arith.xori %select_n3A_497, %reduce_max3A_501 : vector<16xi32>
    %reduce_max3A_503 = tpu.scan <max>, %reduce_max3A_502 masked %reduce_max3A_499 : vector<16xi32>, vector<16xi1> -> vector<16xi32>
    %reduce_max3A_504 = arith.xori %reduce_max3A_503, %reduce_max3A_501 : vector<16xi32>
    %reduce_max3A_505 = vector.extract %reduce_max3A_504[15] : i32 from vector<16xi32>
    %mul3A_506 = arith.constant 16 : i32
    %mul3A_507 = arith.muli %reduce_max3A_492, %mul3A_506 : i32
    %get3A_508 = arith.index_cast %mul3A_507 : i32 to index
    %get3A_509 = tpu.vector_load %arg7[%get3A_508] {strides = array<i32>} : memref<256xi32, #tpu.memory_space<vmem>>, vector<16xi32>,
    %broadcast_in_dim3A_510 = vector.broadcast %reduce_max3A_505 : i32 to vector<16xi32>
    %add3A_511 = arith.addi %get3A_509, %broadcast_in_dim3A_510 : vector<16xi32>
    %mul3A_512 = arith.constant 16 : i32
    %mul3A_513 = arith.muli %reduce_max3A_492, %mul3A_512 : i32
    %get3A_514 = arith.index_cast %mul3A_513 : i32 to index
    %get3A_515 = tpu.vector_load %arg6[%get3A_514] {strides = array<i32>} : memref<256xi32, #tpu.memory_space<vmem>>, vector<16xi32>,
    %mul3A_516 = arith.constant 16 : i32
    %mul3A_517 = arith.muli %reduce_max3A_492, %mul3A_516 : i32
    %add3A_518 = vector.broadcast %mul3A_517 : i32 to vector<16xi32>
    %add3A_519 = arith.addi %iota3A_457, %add3A_518 : vector<16xi32>
    %ge3A_520 = arith.cmpi sge, %add3A_511, %broadcast_in_dim3A_480 : vector<16xi32>
    %broadcast_in_dim3A_521 = arith.constant -1 : i32
    %broadcast_in_dim3A_522 = vector.broadcast %broadcast_in_dim3A_521 : i32 to vector<16xi32>
    %select_n3A_523 = arith.select %ge3A_520, %add3A_519, %broadcast_in_dim3A_522 : vector<16xi1>, vector<16xi32>
    %reduce_max3A_524 = arith.constant true
    %reduce_max3A_525 = vector.broadcast %reduce_max3A_524 : i1 to vector<16xi1>
    %reduce_max3A_526 = arith.constant -2147483648 : i32
    %reduce_max3A_527 = vector.broadcast %reduce_max3A_526 : i32 to vector<16xi32>
    %reduce_max3A_528 = arith.xori %select_n3A_523, %reduce_max3A_527 : vector<16xi32>
    %reduce_max3A_529 = tpu.scan <max>, %reduce_max3A_528 masked %reduce_max3A_525 : vector<16xi32>, vector<16xi1> -> vector<16xi32>
    %reduce_max3A_530 = arith.xori %reduce_max3A_529, %reduce_max3A_527 : vector<16xi32>
    %reduce_max3A_531 = vector.extract %reduce_max3A_530[15] : i32 from vector<16xi32>
    %broadcast_in_dim3A_532 = vector.broadcast %reduce_max3A_531 : i32 to vector<16xi32>
    %eq3A_533 = arith.cmpi eq, %add3A_519, %broadcast_in_dim3A_532 : vector<16xi32>
    %sub3A_534 = arith.subi %add3A_511, %get3A_515 : vector<16xi32>
    %broadcast_in_dim3A_535 = arith.constant -1 : i32
    %broadcast_in_dim3A_536 = vector.broadcast %broadcast_in_dim3A_535 : i32 to vector<16xi32>
    %select_n3A_537 = arith.select %eq3A_533, %sub3A_534, %broadcast_in_dim3A_536 : vector<16xi1>, vector<16xi32>
    %reduce_max3A_538 = arith.constant true
    %reduce_max3A_539 = vector.broadcast %reduce_max3A_538 : i1 to vector<16xi1>
    %reduce_max3A_540 = arith.constant -2147483648 : i32
    %reduce_max3A_541 = vector.broadcast %reduce_max3A_540 : i32 to vector<16xi32>
    %reduce_max3A_542 = arith.xori %select_n3A_537, %reduce_max3A_541 : vector<16xi32>
    %reduce_max3A_543 = tpu.scan <max>, %reduce_max3A_542 masked %reduce_max3A_539 : vector<16xi32>, vector<16xi1> -> vector<16xi32>
    %reduce_max3A_544 = arith.xori %reduce_max3A_543, %reduce_max3A_541 : vector<16xi32>
    %reduce_max3A_545 = vector.extract %reduce_max3A_544[15] : i32 from vector<16xi32>
    %broadcast_in_dim3A_546 = arith.constant -1 : i32
    %broadcast_in_dim3A_547 = vector.broadcast %broadcast_in_dim3A_546 : i32 to vector<16xi32>
    %select_n3A_548 = arith.select %eq3A_533, %get3A_515, %broadcast_in_dim3A_547 : vector<16xi1>, vector<16xi32>
    %reduce_max3A_549 = arith.constant true
    %reduce_max3A_550 = vector.broadcast %reduce_max3A_549 : i1 to vector<16xi1>
    %reduce_max3A_551 = arith.constant -2147483648 : i32
    %reduce_max3A_552 = vector.broadcast %reduce_max3A_551 : i32 to vector<16xi32>
    %reduce_max3A_553 = arith.xori %select_n3A_548, %reduce_max3A_552 : vector<16xi32>
    %reduce_max3A_554 = tpu.scan <max>, %reduce_max3A_553 masked %reduce_max3A_550 : vector<16xi32>, vector<16xi1> -> vector<16xi32>
    %reduce_max3A_555 = arith.xori %reduce_max3A_554, %reduce_max3A_552 : vector<16xi32>
    %reduce_max3A_556 = vector.extract %reduce_max3A_555[15] : i32 from vector<16xi32>
    %shift_left3A_557 = arith.constant 8 : i32
    %shift_left3A_558 = arith.shli %or3A_418, %shift_left3A_557 : i32
    %or3A_559 = arith.ori %shift_left3A_558, %reduce_max3A_531 : i32
    %add3A_560 = arith.addi %reduce_max3A_121, %reduce_max3A_263 : i32
    %add3A_561 = arith.addi %add3A_560, %reduce_max3A_403 : i32
    %add3A_562 = arith.addi %add3A_561, %reduce_max3A_545 : i32
    %add3A_563 = arith.addi %add3A_562, %reduce_max3A_556 : i32
    %broadcast_in_dim3A_564 = vector.broadcast %or3A_559 : i32 to vector<16xi32>
    %broadcast_in_dim3A_565 = arith.constant -2147483648 : i32
    %broadcast_in_dim3A_566 = vector.broadcast %broadcast_in_dim3A_565 : i32 to vector<16xi32>
    %parallel_loop3A_567 = arith.constant 0 : i32
    %parallel_loop3A_568 = arith.constant 512 : i32
    %parallel_loop3A_569 = arith.constant 1 : i32
    %parallel_loop3A_570 = scf.for %parallel_loop3A_611 = %parallel_loop3A_567 to %parallel_loop3A_568 step %parallel_loop3A_569 iter_args(%parallel_loop3A_612 = %broadcast_in_dim3A_566) -> (vector<16xi32>)  : i32 {
      %parallel_loop3A_613 = arith.constant 16 : i32
      %parallel_loop3A_614 = arith.muli %parallel_loop3A_611, %parallel_loop3A_613 : i32
      %parallel_loop3A_615 = arith.constant 0 : i32
      %parallel_loop3A_616 = arith.index_cast %parallel_loop3A_615 : i32 to index
      %parallel_loop3A_617 = arith.index_cast %parallel_loop3A_614 : i32 to index
      %parallel_loop3A_618 = tpu.vector_load %arg5[%parallel_loop3A_616, %parallel_loop3A_617] {strides = array<i32>} : memref<1x8192xi32, #tpu.memory_space<vmem>>, vector<16xi32>,
      %parallel_loop3A_619 = arith.cmpi slt, %parallel_loop3A_618, %broadcast_in_dim3A_564 : vector<16xi32>
      %parallel_loop3A_620 = arith.constant -2147483648 : i32
      %parallel_loop3A_621 = vector.broadcast %parallel_loop3A_620 : i32 to vector<16xi32>
      %parallel_loop3A_622 = arith.select %parallel_loop3A_619, %parallel_loop3A_618, %parallel_loop3A_621 : vector<16xi1>, vector<16xi32>
      %parallel_loop3A_623 = arith.maxsi %parallel_loop3A_612, %parallel_loop3A_622 : vector<16xi32>
      scf.yield %parallel_loop3A_623 : vector<16xi32>
    } {sc.loop_unroll_factor = 8 : i64, sc.parallel_access}
    %ge3A_571 = arith.constant 411 : i32
    %ge3A_572 = arith.cmpi sge, %add3A_563, %ge3A_571 : i32
    %reduce_max3A_573 = arith.constant true
    %reduce_max3A_574 = vector.broadcast %reduce_max3A_573 : i1 to vector<16xi1>
    %reduce_max3A_575 = arith.constant -2147483648 : i32
    %reduce_max3A_576 = vector.broadcast %reduce_max3A_575 : i32 to vector<16xi32>
    %reduce_max3A_577 = arith.xori %parallel_loop3A_570, %reduce_max3A_576 : vector<16xi32>
    %reduce_max3A_578 = tpu.scan <max>, %reduce_max3A_577 masked %reduce_max3A_574 : vector<16xi32>, vector<16xi1> -> vector<16xi32>
    %reduce_max3A_579 = arith.xori %reduce_max3A_578, %reduce_max3A_576 : vector<16xi32>
    %reduce_max3A_580 = vector.extract %reduce_max3A_579[15] : i32 from vector<16xi32>
    %select_n3A_581 = arith.select %ge3A_572, %or3A_559, %reduce_max3A_580 : i32
    %lt3A = arith.constant 0 : i32
    %lt3A_582 = vector.broadcast %lt3A : i32 to vector<16xi32>
    %lt3A_583 = arith.cmpi slt, %broadcast_in_dim3A_564, %lt3A_582 : vector<16xi32>
    %xor3A = arith.constant 2147483647 : i32
    %xor3A_584 = vector.broadcast %xor3A : i32 to vector<16xi32>
    %xor3A_585 = arith.xori %broadcast_in_dim3A_564, %xor3A_584 : vector<16xi32>
    %select_n3A_586 = arith.select %lt3A_583, %xor3A_585, %broadcast_in_dim3A_564 : vector<16xi1>, vector<16xi32>
    %bitcast_convert_type3A = tpu.bitcast %select_n3A_586 : vector<16xi32> -> vector<16xf32>
    %broadcast_in_dim3A_587 = vector.broadcast %select_n3A_581 : i32 to vector<16xi32>
    %lt3A_588 = arith.constant 0 : i32
    %lt3A_589 = vector.broadcast %lt3A_588 : i32 to vector<16xi32>
    %lt3A_590 = arith.cmpi slt, %broadcast_in_dim3A_587, %lt3A_589 : vector<16xi32>
    %xor3A_591 = arith.constant 2147483647 : i32
    %xor3A_592 = vector.broadcast %xor3A_591 : i32 to vector<16xi32>
    %xor3A_593 = arith.xori %broadcast_in_dim3A_587, %xor3A_592 : vector<16xi32>
    %select_n3A_594 = arith.select %lt3A_590, %xor3A_593, %broadcast_in_dim3A_587 : vector<16xi1>, vector<16xi32>
    %bitcast_convert_type3A_595 = tpu.bitcast %select_n3A_594 : vector<16xi32> -> vector<16xf32>
    %add3A_596 = arith.addf %bitcast_convert_type3A, %bitcast_convert_type3A_595 : vector<16xf32>
    %mul3A_597 = arith.constant 5.000000e-01 : f32
    %mul3A_598 = vector.broadcast %mul3A_597 : f32 to vector<16xf32>
    %mul3A_599 = arith.mulf %add3A_596, %mul3A_598 : vector<16xf32>
    %bitcast_convert_type3A_600 = tpu.bitcast %mul3A_599 : vector<16xf32> -> vector<16xi32>
    %lt3A_601 = arith.constant 0 : i32
    %lt3A_602 = vector.broadcast %lt3A_601 : i32 to vector<16xi32>
    %lt3A_603 = arith.cmpi slt, %bitcast_convert_type3A_600, %lt3A_602 : vector<16xi32>
    %xor3A_604 = arith.constant 2147483647 : i32
    %xor3A_605 = vector.broadcast %xor3A_604 : i32 to vector<16xi32>
    %xor3A_606 = arith.xori %bitcast_convert_type3A_600, %xor3A_605 : vector<16xi32>
    %select_n3A_607 = arith.select %lt3A_603, %xor3A_606, %bitcast_convert_type3A_600 : vector<16xi1>, vector<16xi32>
    %parallel_loop3A_608 = arith.constant 0 : i32
    %parallel_loop3A_609 = arith.constant 512 : i32
    %parallel_loop3A_610 = arith.constant 1 : i32
    scf.for %parallel_loop3A_611 = %parallel_loop3A_608 to %parallel_loop3A_609 step %parallel_loop3A_610  : i32 {
      %parallel_loop3A_612 = arith.constant 16 : i32
      %parallel_loop3A_613 = arith.muli %parallel_loop3A_611, %parallel_loop3A_612 : i32
      %parallel_loop3A_614 = arith.constant 0 : i32
      %parallel_loop3A_615 = arith.index_cast %parallel_loop3A_614 : i32 to index
      %parallel_loop3A_616 = arith.index_cast %parallel_loop3A_613 : i32 to index
      %parallel_loop3A_617 = tpu.vector_load %arg5[%parallel_loop3A_615, %parallel_loop3A_616] {strides = array<i32>} : memref<1x8192xi32, #tpu.memory_space<vmem>>, vector<16xi32>,
      %parallel_loop3A_618 = arith.cmpi sgt, %parallel_loop3A_617, %select_n3A_607 : vector<16xi32>
      %parallel_loop3A_619 = arith.constant 1.000000e+00 : f32
      %parallel_loop3A_620 = arith.constant 0.000000e+00 : f32
      %parallel_loop3A_621 = vector.broadcast %parallel_loop3A_619 : f32 to vector<16xf32>
      %parallel_loop3A_622 = vector.broadcast %parallel_loop3A_620 : f32 to vector<16xf32>
      %parallel_loop3A_623 = arith.select %parallel_loop3A_618, %parallel_loop3A_621, %parallel_loop3A_622 : vector<16xi1>, vector<16xf32>
      %parallel_loop3A_624 = arith.constant 0 : i32
      %parallel_loop3A_625 = arith.index_cast %parallel_loop3A_624 : i32 to index
      %parallel_loop3A_626 = arith.index_cast %parallel_loop3A_613 : i32 to index
      %parallel_loop3A_627 = tpu.vector_load %arg4[%parallel_loop3A_625, %parallel_loop3A_626] {strides = array<i32>} : memref<1x8192xf32, #tpu.memory_space<vmem>>, vector<16xf32>,
      tpu.vector_store %arg4[%parallel_loop3A_625, %parallel_loop3A_626], %parallel_loop3A_623 {strides = array<i32>} : memref<1x8192xf32, #tpu.memory_space<vmem>>, vector<16xf32>,
    } {sc.loop_unroll_factor = 8 : i64, sc.parallel_access}
    "tpu.region"() ({
      %run_scoped3A = tpu.sem_alloc : memref<!tpu.dma_semaphore, #tpu.memory_space<semaphore_mem>>
      %dma_start3A = arith.constant 0 : i32
      %dma_start3A_611 = tpu.memref_slice %arg3[%add3A_4, %dma_start3A] : memref<64x8192xf32, #tpu.memory_space<hbm>> -> memref<1x8192xf32, #tpu.memory_space<hbm>>
      %dma_start3A_612 = arith.constant 0 : i32
      %dma_start3A_613 = tpu.memref_slice %arg3[%add3A_4, %dma_start3A_612] : memref<64x8192xf32, #tpu.memory_space<hbm>> -> memref<1x8192xf32, #tpu.memory_space<hbm>>
      tpu.enqueue_dma source(%arg4 : memref<1x8192xf32, #tpu.memory_space<vmem>>) target(%dma_start3A_613 : memref<1x8192xf32, #tpu.memory_space<hbm>>) target_semaphore(%run_scoped3A : memref<!tpu.dma_semaphore, #tpu.memory_space<semaphore_mem>>)
      %dma_wait3A = arith.constant 0 : i32
      %dma_wait3A_614 = tpu.memref_slice %arg3[%add3A_4, %dma_wait3A] : memref<64x8192xf32, #tpu.memory_space<hbm>> -> memref<1x8192xf32, #tpu.memory_space<hbm>>
      %dma_wait3A_615 = arith.constant 0 : i32
      %dma_wait3A_616 = tpu.memref_slice %arg3[%add3A_4, %dma_wait3A_615] : memref<64x8192xf32, #tpu.memory_space<hbm>> -> memref<1x8192xf32, #tpu.memory_space<hbm>>
      tpu.wait_dma2 semaphore(%run_scoped3A : memref<!tpu.dma_semaphore, #tpu.memory_space<semaphore_mem>>) src(%arg4 : memref<1x8192xf32, #tpu.memory_space<vmem>>) dst(%dma_wait3A_616 : memref<1x8192xf32, #tpu.memory_space<hbm>>)
      tpu.yield
    }) : () -> ()
    return
  }
}

module attributes {stable_mosaic.version = 14 : i64} {
  func.func @_tc_thr_body(%arg0: i32, %arg1: memref<32x8192xf32, #tpu.memory_space<vmem>>, %arg2: memref<32x1xf32, #tpu.memory_space<vmem>>) attributes {dimension_semantics = [#tpu.dimension_semantics<arbitrary>], iteration_bounds = array<i64: 1>, scalar_prefetch = 0 : i64, scratch_operands = 0 : i64, tpu.core_type = #tpu.core_type<tc>, window_params = [{transform_indices = @transform_0, window_bounds = array<i64: 32, 8192>}, {pipeline_mode = #tpu.pipeline_mode<synchronous>, transform_indices = @transform_1, window_bounds = array<i64: 32, 1>}]} {
    %get3A = arith.constant 0 : index
    %get3A_0 = arith.constant 0 : index
    %get3A_1 = vector.load %arg1[%get3A, %get3A_0] : memref<32x8192xf32, #tpu.memory_space<vmem>>, vector<32x8192xf32>
    %bitcast_convert_type3A = tpu.bitcast %get3A_1 : vector<32x8192xf32> -> vector<32x8192xi32>
    %lt3A = arith.constant 0 : i32
    %lt3A_2 = vector.broadcast %lt3A : i32 to vector<32x8192xi32>
    %lt3A_3 = arith.cmpi slt, %bitcast_convert_type3A, %lt3A_2 : vector<32x8192xi32>
    %xor3A = arith.constant 2147483647 : i32
    %xor3A_4 = vector.broadcast %xor3A : i32 to vector<32x8192xi32>
    %xor3A_5 = arith.xori %bitcast_convert_type3A, %xor3A_4 : vector<32x8192xi32>
    %select_n3A = arith.select %lt3A_3, %xor3A_5, %bitcast_convert_type3A : vector<32x8192xi1>, vector<32x8192xi32>
    %broadcast_in_dim3A = arith.constant -2147483648 : i32
    %broadcast_in_dim3A_6 = vector.broadcast %broadcast_in_dim3A : i32 to vector<32x1xi32>
    %broadcast_in_dim3A_7 = arith.constant 8192 : i32
    %broadcast_in_dim3A_8 = vector.broadcast %broadcast_in_dim3A_7 : i32 to vector<32x1xi32>
    %scan3A = arith.constant 0 : i32
    %scan3A_9 = arith.constant 32 : i32
    %scan3A_10 = arith.addi %scan3A, %scan3A_9 : i32
    %scan3A_11 = arith.constant 1 : i32
    %scan3A_12:2 = scf.for %scan3A_43 = %scan3A to %scan3A_10 step %scan3A_11 iter_args(%scan3A_44 = %broadcast_in_dim3A_6, %scan3A_45 = %broadcast_in_dim3A_8) -> (vector<32x1xi32>, vector<32x1xi32>)  : i32 {
      %sub3A = arith.constant 31 : i32
      %sub3A_46 = arith.subi %sub3A, %scan3A_43 : i32
      %shift_left3A = arith.constant 1 : i32
      %shift_left3A_47 = arith.shli %shift_left3A, %sub3A_46 : i32
      %add3A_48 = vector.broadcast %shift_left3A_47 : i32 to vector<32x1xi32>
      %add3A_49 = arith.addi %scan3A_44, %add3A_48 : vector<32x1xi32>
      %ge3A_50 = vector.broadcast %add3A_49 : vector<32x1xi32> to vector<32x8192xi32>
      %ge3A_51 = arith.cmpi sge, %select_n3A, %ge3A_50 : vector<32x8192xi32>
      %convert_element_type3A = arith.extui %ge3A_51 : vector<32x8192xi1> to vector<32x8192xi32>
      %reduce_sum3A = arith.constant dense<0> : vector<32xi32>
      %reduce_sum3A_52 = vector.multi_reduction <add>, %convert_element_type3A, %reduce_sum3A [1] : vector<32x8192xi32> to vector<32xi32>
      %broadcast_in_dim3A_53 = vector.shape_cast %reduce_sum3A_52 : vector<32xi32> to vector<32x1xi32>
      %ge3A_54 = arith.constant 410 : i32
      %ge3A_55 = vector.broadcast %ge3A_54 : i32 to vector<32x1xi32>
      %ge3A_56 = arith.cmpi sge, %broadcast_in_dim3A_53, %ge3A_55 : vector<32x1xi32>
      %select_n3A_57 = arith.select %ge3A_56, %add3A_49, %scan3A_44 : vector<32x1xi1>, vector<32x1xi32>
      %select_n3A_58 = arith.select %ge3A_56, %broadcast_in_dim3A_53, %scan3A_45 : vector<32x1xi1>, vector<32x1xi32>
      scf.yield %select_n3A_57, %select_n3A_58 : vector<32x1xi32>, vector<32x1xi32>
    }
    %scan3A_13 = arith.constant 32 : i32
    %lt3A_14 = vector.broadcast %scan3A_12#0 : vector<32x1xi32> to vector<32x8192xi32>
    %lt3A_15 = arith.cmpi slt, %select_n3A, %lt3A_14 : vector<32x8192xi32>
    %jit3A = arith.constant -2147483648 : i32
    %broadcast_in_dim3A_16 = vector.broadcast %jit3A : i32 to vector<32x8192xi32>
    %select_n3A_17 = arith.select %lt3A_15, %select_n3A, %broadcast_in_dim3A_16 : vector<32x8192xi1>, vector<32x8192xi32>
    %reduce_max3A = arith.constant dense<-2147483648> : vector<32xi32>
    %reduce_max3A_18 = vector.multi_reduction <maxsi>, %select_n3A_17, %reduce_max3A [1] : vector<32x8192xi32> to vector<32xi32>
    %broadcast_in_dim3A_19 = vector.shape_cast %reduce_max3A_18 : vector<32xi32> to vector<32x1xi32>
    %ge3A = arith.constant 411 : i32
    %ge3A_20 = vector.broadcast %ge3A : i32 to vector<32x1xi32>
    %ge3A_21 = arith.cmpi sge, %scan3A_12#1, %ge3A_20 : vector<32x1xi32>
    %select_n3A_22 = arith.select %ge3A_21, %scan3A_12#0, %broadcast_in_dim3A_19 : vector<32x1xi1>, vector<32x1xi32>
    %lt3A_23 = arith.constant 0 : i32
    %lt3A_24 = vector.broadcast %lt3A_23 : i32 to vector<32x1xi32>
    %lt3A_25 = arith.cmpi slt, %scan3A_12#0, %lt3A_24 : vector<32x1xi32>
    %xor3A_26 = arith.constant 2147483647 : i32
    %xor3A_27 = vector.broadcast %xor3A_26 : i32 to vector<32x1xi32>
    %xor3A_28 = arith.xori %scan3A_12#0, %xor3A_27 : vector<32x1xi32>
    %select_n3A_29 = arith.select %lt3A_25, %xor3A_28, %scan3A_12#0 : vector<32x1xi1>, vector<32x1xi32>
    %bitcast_convert_type3A_30 = tpu.bitcast %select_n3A_29 : vector<32x1xi32> -> vector<32x1xf32>
    %lt3A_31 = arith.constant 0 : i32
    %lt3A_32 = vector.broadcast %lt3A_31 : i32 to vector<32x1xi32>
    %lt3A_33 = arith.cmpi slt, %select_n3A_22, %lt3A_32 : vector<32x1xi32>
    %xor3A_34 = arith.constant 2147483647 : i32
    %xor3A_35 = vector.broadcast %xor3A_34 : i32 to vector<32x1xi32>
    %xor3A_36 = arith.xori %select_n3A_22, %xor3A_35 : vector<32x1xi32>
    %select_n3A_37 = arith.select %lt3A_33, %xor3A_36, %select_n3A_22 : vector<32x1xi1>, vector<32x1xi32>
    %bitcast_convert_type3A_38 = tpu.bitcast %select_n3A_37 : vector<32x1xi32> -> vector<32x1xf32>
    %add3A = arith.addf %bitcast_convert_type3A_30, %bitcast_convert_type3A_38 : vector<32x1xf32>
    %mul3A = arith.constant 5.000000e-01 : f32
    %mul3A_39 = vector.broadcast %mul3A : f32 to vector<32x1xf32>
    %mul3A_40 = arith.mulf %add3A, %mul3A_39 : vector<32x1xf32>
    %swap3A = arith.constant 0 : index
    %swap3A_41 = arith.constant 0 : index
    %swap3A_42 = vector.load %arg2[%swap3A, %swap3A_41] : memref<32x1xf32, #tpu.memory_space<vmem>>, vector<32x1xf32>
    tpu.vector_store %arg2[%swap3A, %swap3A_41], %mul3A_40 {strides = array<i32>} : memref<32x1xf32, #tpu.memory_space<vmem>>, vector<32x1xf32>,
    return
  }
  func.func @transform_0(%arg0: i32) -> (i32, i32) {
    %c0_i32 = arith.constant 0 : i32
    %c0_i32_0 = arith.constant 0 : i32
    %c0_i32_1 = arith.constant 0 : i32
    return %c0_i32, %c0_i32_0 : i32, i32
  }
  func.func @transform_1(%arg0: i32) -> (i32, i32) {
    %c0_i32 = arith.constant 0 : i32
    %c0_i32_0 = arith.constant 0 : i32
    %c0_i32_1 = arith.constant 0 : i32
    return %c0_i32, %c0_i32_0 : i32, i32
  }
}

module attributes {stable_mosaic.version = 14 : i64} {
  func.func @_tc_merge_body(%arg0: i32, %arg1: memref<32x8192xf32, #tpu.memory_space<vmem>>, %arg2: memref<32x1xf32, #tpu.memory_space<vmem>>, %arg3: memref<64x8192xf32, #tpu.memory_space<hbm>>, %arg4: memref<32x8192xf32, #tpu.memory_space<vmem>>) attributes {dimension_semantics = [#tpu.dimension_semantics<arbitrary>], iteration_bounds = array<i64: 1>, scalar_prefetch = 0 : i64, scratch_operands = 0 : i64, tpu.core_type = #tpu.core_type<tc>, window_params = [{transform_indices = @transform_0, window_bounds = array<i64: 32, 8192>}, {pipeline_mode = #tpu.pipeline_mode<synchronous>, transform_indices = @transform_1, window_bounds = array<i64: 32, 1>}, {}, {transform_indices = @transform_3, window_bounds = array<i64: 32, 8192>}]} {
    %get3A = arith.constant 0 : index
    %get3A_0 = arith.constant 0 : index
    %get3A_1 = vector.load %arg1[%get3A, %get3A_0] : memref<32x8192xf32, #tpu.memory_space<vmem>>, vector<32x8192xf32>
    %get3A_2 = arith.constant 0 : index
    %get3A_3 = arith.constant 0 : index
    %get3A_4 = vector.load %arg2[%get3A_2, %get3A_3] : memref<32x1xf32, #tpu.memory_space<vmem>>, vector<32x1xf32>
    %gt3A = vector.broadcast %get3A_4 : vector<32x1xf32> to vector<32x8192xf32>
    %gt3A_5 = arith.cmpf ogt, %get3A_1, %gt3A : vector<32x8192xf32>
    %convert_element_type3A = arith.extui %gt3A_5 : vector<32x8192xi1> to vector<32x8192xi32>
    %convert_element_type3A_6 = arith.sitofp %convert_element_type3A : vector<32x8192xi32> to vector<32x8192xf32>
    %swap3A = arith.constant 0 : index
    %swap3A_7 = arith.constant 0 : index
    %swap3A_8 = vector.load %arg4[%swap3A, %swap3A_7] : memref<32x8192xf32, #tpu.memory_space<vmem>>, vector<32x8192xf32>
    tpu.vector_store %arg4[%swap3A, %swap3A_7], %convert_element_type3A_6 {strides = array<i32>} : memref<32x8192xf32, #tpu.memory_space<vmem>>, vector<32x8192xf32>,
    return
  }
  func.func @transform_0(%arg0: i32) -> (i32, i32) {
    %c0_i32 = arith.constant 0 : i32
    %c0_i32_0 = arith.constant 0 : i32
    %c0_i32_1 = arith.constant 0 : i32
    return %c0_i32, %c0_i32_0 : i32, i32
  }
  func.func @transform_1(%arg0: i32) -> (i32, i32) {
    %c0_i32 = arith.constant 0 : i32
    %c0_i32_0 = arith.constant 0 : i32
    %c0_i32_1 = arith.constant 0 : i32
    return %c0_i32, %c0_i32_0 : i32, i32
  }
  func.func @transform_3(%arg0: i32) -> (i32, i32) {
    %c0_i32 = arith.constant 0 : i32
    %c0_i32_0 = arith.constant 0 : i32
    %c0_i32_1 = arith.constant 0 : i32
    return %c0_i32, %c0_i32_0 : i32, i32
  }
}

</mosaic_0001>

<sc_bundles>
// kernel: kernel.5.cloned.1.call-start
scs
__scs_entry_jumppad:
0x0: {  	(pc) =	sbr.rel $0x88, $3  }
0x1: {  	(tag) =	ssettag $0x0;
	lr =	simm.s32 $0x1  }
0x2: {  	[smem:$0x3FA0] =	sst lr;
	_ =	strace $0xD0000000  }
0x3: {  	_ = 	snop  }
0x4: {  	_ = 	snop  }
0x5: {  	_ = 	snop  }
0x6: {  	_ = 	snop  }
0x7: {  	_ = 	snop  }
__scs_overlays_trampoline_lowered:
0x8: {  	[smem:$0x3FAF] =	sst s0  }
0x9: {  	[smem:$0x3FB0] =	sst s1  }
0xa: {  	[smem:$0x3FB1] =	sst s2  }
0xb: {  	[smem:$0x3FB2] =	sst s3  }
0xc: {  	[smem:$0x3FB3] =	sst s4  }
0xd: {  	[smem:$0x3FB4] =	sst s5  }
0xe: {  	[smem:$0x3FB5] =	sst s6  }
0xf: {  	[smem:$0x3FB6] =	sst s7  }
0x10: {  	[smem:$0x3FB7] =	sst s8  }
0x11: {  	[smem:$0x3FB8] =	sst s9;
	s0 =	simm.s32 @!p0 $0x0  }
0x12: {  	s1 =	sld [smem:$0x3F9E];
	s0 =	simm.s32 @p0 $0x1  }
0x13: {  	[smem:$0x3FB9] =	sst s0;
	s0 =	simm.s32 @!p1 $0x0  }
0x14: {  	s2 =	sld [smem:$0x3F9D];
	s0 =	simm.s32 @p1 $0x1  }
0x15: {  	[smem:$0x3FBA] =	sst s0;
	s0 =	simm.s32 @!p2 $0x0  }
0x16: {  	s3 =	sld [smem:$0x3FDB];
	s0 =	simm.s32 @p2 $0x1  }
0x17: {  	s4 =	simm.s32 $0x1BF5;
	[smem:$0x3FBC] =	sst s0  }
0x18: {  	s0 =	sld [smem:$0x3F9F];
	_ =	swait.ge [sflag:s4], $0x0  }
0x19: {  	s7 =	sld [smem:$0x3FA0]  }
0x1a: {  	s8 =	sadd.s32 $0xFFFFE003, lr  }
0x1b: {  	s9 =	sadd.s32 $0xFFFFFEF7, lr;
	s5 =	simm.s32 $0xFFFFFFFF;
	p2 =	slt.u32 s8, $0xFFFFF086  }
0x1c: {  	p1 =	slt.u32 s9, $0xF7A;
	s5 =	simm.s32 @!p2 $0x0  }
0x1d: {  	s5 =	simm.s32 @p1 $0x1;
	p0 =	seq.s32 s7, s2  }
0x1e: {  	s7 =	smul.u32 @!p0 $0xF7A, s2;
	p2 =	seq.s32 @!p0 s5, $0x0  }
0x1f: {  	s9 =	smul.u32 $0xF7A, s1;
	s8 =	simm.s32 @!p0 $0x1BF5;
	p2 =	por !p2, p0  }
0x20: {  	[sflag:s8] =	ssyncset.s32 @!p0 $0xFFFFF086;
	s6 =	sadd.s32 @!p0 s3, s7;
	s7 =	simm.s32 @!p0 $0x108  }
0x21: {  	s3 =	sadd.s32 s3, s9;
	s6 =	sadd.s32 @!p0 $0x88, s6;
	s7 =	simm.s32 @p2 $0x1082  }
0x22: {  	[simem:s7], [sflag:s8] =	dma.local @!p0 [hbm:s6], $0xF7A  }
0x23: {  	s9 =	sor.u32 $0xD0000000, s2;
	s6 =	simm.s32 $0x108;
	_ =	swait.ge @!p0 [sflag:s8], $0x0  }
0x24: {  	s3 =	sadd.s32 $0x88, s3;
	s6 =	simm.s32 @!p1 $0x1082;
	[sflag:s4] =	ssyncset.s32 $0xFFFFF086  }
0x25: {  	[simem:s6], [sflag:s4] =	dma.local [hbm:s3], $0xF7A  }
0x26: {  	[smem:$0x3FA0] =	sst s1;
	(tag) =	ssettag s2;
	_ =	strace s9  }
0x27: {  	s1 =	sld [smem:$0x3FB0]  }
0x28: {  	s2 =	sld [smem:$0x3FB1]  }
0x29: {  	s4 =	sld [smem:$0x3FB3]  }
0x2a: {  	p0 =	seq.s32 s5, $0x0;
	s5 =	sld [smem:$0x3FB4]  }
0x2b: {  	s6 =	sld [smem:$0x3FB5]  }
0x2c: {  	s7 =	sld [smem:$0x3FB6]  }
0x2d: {  	s3 =	simm.s32 $0x108;
	s8 =	sld [smem:$0x3FB7]  }
0x2e: {  	s3 =	simm.s32 @!p0 $0x1082;
	s9 =	sld [smem:$0x3FB8]  }
0x2f: {  	lr =	sadd.s32 s0, s3;
	s0 =	sld [smem:$0x3FAF]  }
0x30: {  	s3 =	sld [smem:$0x3FB2]  }
0x31: {  	[smem:$0x3FBB] =	sst s10  }
0x32: {  	s10 =	sld [smem:$0x3FB9];
	_ =	sdelay $0x3  }
0x33: {  	p0 =	seq.s32 s10, $0x1;
	s10 =	sld [smem:$0x3FBB];
	_ =	sdelay $0x3  }
0x34: {  	[smem:$0x3FBB] =	sst s10  }
0x35: {  	s10 =	sld [smem:$0x3FBA];
	_ =	sdelay $0x3  }
0x36: {  	p1 =	seq.s32 s10, $0x1;
	s10 =	sld [smem:$0x3FBB];
	_ =	sdelay $0x3  }
0x37: {  	[smem:$0x3FBB] =	sst s10  }
0x38: {  	s10 =	sld [smem:$0x3FBC]  }
0x39: {  	_ = 	snop;
	(pc) =	sbr.ind lr, $3  }
0x3a: {  	_ = 	snop  }
0x3b: {  	_ = 	snop  }
0x3c: {  	p2 =	seq.s32 s10, $0x1;
	s10 =	sld [smem:$0x3FBB]  }
0x3d: {  	_ =	shalt  }
0x3e: {  	_ =	shalt  }
0x3f: {  	_ =	shalt  }
0x40: {  	_ =	shalt  }
0x41: {  	_ =	shalt  }
0x42: {  	_ =	shalt  }
0x43: {  	_ =	shalt  }
0x44: {  	_ =	shalt  }
0x45: {  	_ =	shalt  }
0x46: {  	_ =	shalt  }
0x47: {  	_ =	shalt  }
0x48: {  	_ =	shalt  }
0x49: {  	_ =	shalt  }
0x4a: {  	_ =	shalt  }
0x4b: {  	_ =	shalt  }
0x4c: {  	_ =	shalt  }
0x4d: {  	_ =	shalt  }
0x4e: {  	_ =	shalt  }
0x4f: {  	_ =	shalt  }
0x50: {  	_ =	shalt  }
0x51: {  	_ =	shalt  }
0x52: {  	_ =	shalt  }
0x53: {  	_ =	shalt  }
0x54: {  	_ =	shalt  }
0x55: {  	_ =	shalt  }
0x56: {  	_ =	shalt  }
0x57: {  	_ =	shalt  }
0x58: {  	_ =	shalt  }
0x59: {  	_ =	shalt  }
0x5a: {  	_ =	shalt  }
0x5b: {  	_ =	shalt  }
0x5c: {  	_ =	shalt  }
0x5d: {  	_ =	shalt  }
0x5e: {  	_ =	shalt  }
0x5f: {  	_ =	shalt  }
0x60: {  	_ =	shalt  }
0x61: {  	_ =	shalt  }
0x62: {  	_ =	shalt  }
0x63: {  	_ =	shalt  }
0x64: {  	_ =	shalt  }
0x65: {  	_ =	shalt  }
0x66: {  	_ =	shalt  }
0x67: {  	_ =	shalt  }
0x68: {  	_ =	shalt  }
0x69: {  	_ =	shalt  }
0x6a: {  	_ =	shalt  }
0x6b: {  	_ =	shalt  }
0x6c: {  	_ =	shalt  }
0x6d: {  	_ =	shalt  }
0x6e: {  	_ =	shalt  }
0x6f: {  	_ =	shalt  }
0x70: {  	_ =	shalt  }
0x71: {  	_ =	shalt  }
0x72: {  	_ =	shalt  }
0x73: {  	_ =	shalt  }
0x74: {  	_ =	shalt  }
0x75: {  	_ =	shalt  }
0x76: {  	_ =	shalt  }
0x77: {  	_ =	shalt  }
0x78: {  	_ =	shalt  }
0x79: {  	_ =	shalt  }
0x7a: {  	_ =	shalt  }
0x7b: {  	_ =	shalt  }
0x7c: {  	_ =	shalt  }
0x7d: {  	_ =	shalt  }
0x7e: {  	_ =	shalt  }
0x7f: {  	_ =	shalt  }
0x80: {  	_ =	shalt  }
0x81: {  	_ =	shalt  }
0x82: {  	_ =	shalt  }
0x83: {  	_ =	shalt  }
0x84: {  	_ =	shalt  }
0x85: {  	_ =	shalt  }
0x86: {  	_ =	shalt  }
0x87: {  	_ =	shalt  }
.Lfunc_end0:
.L_simem_size_0:
called_computation_lowered:
.L_overlay_start_0:
0x88: {  	s2 =	sld [smem:$0x3FD9]  }
0x89: {  	s3 =	sld [smem:$0x3FFE];
	_ =	sdelay $0x1  }
0x8a: {  	s1 =	srdreg.scid  }
0x8b: {  	s0 =	sand.u32 $0x1, s1  }
0x8c: {  	s18 =	sshll.u32 s0, $0xA;
	s2 =	sadd.s32 s3, s2  }
0x8d: {  	s2 =	sadd.s32 s2, s18  }
0x8e: {  	[smem:$0x3FC7] =	sst s2  }
0x8f: {  	_ = 	snop  }
0x90: {  	s2 =	sld [smem:$0x3FC9]  }
0x91: {  	s19 =	sld [smem:$0x3FD0];
	(tm) =	ssettm $0x1  }
0x92: {  	s4 =	sld [smem:$0x3FFB];
	_ =	sdelay $0x3  }
0x93: {  	_ =	strace s4  }
0x94: {  	s4 =	sld [smem:$0x3FFC];
	_ =	sdelay $0x3  }
0x95: {  	_ =	strace s4  }
0x96: {  	s4 =	sld [smem:$0x3FFD];
	_ =	sdelay $0x3  }
0x97: {  	_ =	strace s4  }
0x98: {  	_ =	strace $0x8FFFFFFF  }
0x99: {  	s20 =	sld [smem:$0x3FDB];
	_ =	sdelay $0x1  }
0x9a: {  	s5 =	simm.s32 $_scs_section_size  }
0x9b: {  	s6 =	simm.s32 $_size__tile_overlayer_lowered;
	s7 =	simm.s32 $_tile_overlayer_lowered  }
0x9c: {  	s23 =	simm.s32 $0x1BFF;
	s22 =	sshll.u32 s7, $0x1;
	s4 =	sadd.s32 s5, s20  }
0x9d: {  	s8 =	simm.s32 $0x0;
	s21 =	sshll.u32 s6, $0x1;
	s6 =	sadd.s32 s22, s4  }
0x9e: {  	[timem:s8], [sflag:s23] =	dma.local [hbm:s6], s21  }
0x9f: {  	_ =	swait.ge [sflag:s23], s21  }
0xa0: {  	s5 =	ssub.s32 $0x0, s21;
	[sflag:s23] =	ssyncset.done $0x0  }
0xa1: {  	[sflag:s23] =	ssyncadd.s32 s5;
	_ =	sdelay $0x1  }
0xa2: {  	s24 =	simm.s32 $0x1B8B  }
0xa3: {  	_ =	swait.ge [sflag:s24], $0x1  }
0xa4: {  	[sflag:s24] =	ssyncset.done $0x0  }
0xa5: {  	s25 =	simm.s32 $0x1B8E;
	[sflag:s24] =	ssyncadd.s32 $0xFFFFFFFF  }
0xa6: {  	s26 =	simm.s32 $execute0_lowered;
	[smem:$0x3FD2] =	sst s25  }
0xa7: {  	s5 =	sshll.u32 s26, $0x1;
	_ =	strace $0x80000046;
	[dreg:$0x1] =	wrdreg $0xFFFFFFFF  }
0xa8: {  	s28 =	simm.s32 $_size_execute0_lowered;
	s4 =	sadd.s32 s4, s5;
	[dreg:$0x0] =	wrdreg $0x0  }
0xa9: {  	s5 =	sshll.u32 s28, $0x1;
	[dreg:$0x2] =	wrdreg s4  }
0xaa: {  	[dreg:$0x3] =	wrdreg s5  }
0xab: {  	[dreg:$0x4] =	wrdreg $0xC0  }
0xac: {  	_ =	task [dreg:s8], $0x5FFFF  }
0xad: {  	[dreg:$0x1] =	wrdreg $0xFFFFFFFF  }
0xae: {  	[dreg:$0x0] =	wrdreg $0x60  }
0xaf: {  	[dreg:$0x2] =	wrdreg s2  }
0xb0: {  	[dreg:$0x3] =	wrdreg s19  }
0xb1: {  	[dreg:$0x4] =	wrdreg $0x9  }
0xb2: {  	_ =	task.clear_ibuf [dreg:s8], $0x5FFFF;
	_ =	strace $0x90000046  }
0xb3: {  	s29 =	simm.s32 $0x9;
	_ =	strace $0x80000048  }
0xb4: {  	_ =	swait.ge [sflag:s29], $0x1  }
0xb5: {  	[sflag:s29] =	ssyncadd.s32 $0xFFFFFFFF  }
0xb6: {  	_ =	strace $0x90000048  }
0xb7: {  	_ =	sfence  }
0xb8: {  	s30 =	sld [smem:$0x0];
	_ =	sdelay $0x2  }
0xb9: {  	s31 =	sshll.u32 s1, $0xD;
	s1 =	sshrl.u32 s1, $0x2  }
0xba: {  	s3 =	sand.u32 $0x4000, s31;
	s1 =	sadd.s32 s1, s30  }
0xbb: {  	s0 =	sor.u32 s3, s0;
	s1 =	sshll.u32 s1, $0x11  }
0xbc: {  	s0 =	sor.u32 s1, s0  }
0xbd: {  	s0 =	sadd.s32 $0x8F2B, s0  }
0xbe: {  	[sflag:s0] =	ssyncadd.remote.s32 $0x1  }
0xbf: {  	_ =	sfence.sel $0xFFFF  }
0xc0: {  	[dreg:$0x0] =	wrdreg $0xFFFFFFFF;
	(pc) =	sbr.abs _section_cstart, $3  }
0xc1: {  	[dreg:$0x1] =	wrdreg $0xFFFFFFFF  }
0xc2: {  	_ =	task.clear_ibuf [dreg:s8], $0x2FFFF;
	_ =	strace $0x9FFFFFFF  }
0xc3: {  	(tm) =	ssettm $0x7FFFFFFF  }
tec
execute0_lowered:
.L_overlay_start_1:
0x0: {  	(tag) =	ssettag $0x1  }
0x1: {  	s3 =	rddreg [dreg:$0x0]  }
0x2: {  	s4 =	rddreg [dreg:$0x1]  }
0x3: {  	s0 =	rddreg [dreg:$0x2]  }
0x4: {  	s5 =	srdreg.scid;
	s1 =	stileid.u32  }
0x5: {  	s2 =	simm.s32 $0x0;
	s9 =	simm.s32 $0x4000;
	s10 =	simm.s32 $0x4200  }
0x6: {  	s11 =	simm.s32 $0x0;
	s5 =	sand.u32 $0x1, s5;
	s6 =	sshll.u32 s1, $0x5  }
0x7: {  	s7 =	sshll.u32 s1, $0xB;
	[smem:$0x7FF] =	sst s2;
	s8 =	sshll.u32 s5, $0x4  }
0x8: {  	s6 =	sand.u32 $0x60, s6;
	s5 =	ssub.s32 $0x2, s5;
	s7 =	sand.u32 $0x6000, s7  }
0x9: {  	v0 =	vlaneseq.u32;
	_ =	strace $0x80000047;
	s6 =	sor.u32 s8, s6;
	s31 =	sshrl.u32 s5, $0x1  }
0xa: {  	v3 =	vmul.u32 $0xFFFFFFFF, v0;
	s8 =	simm.s32 $0x1;
	s6 =	sor.u32 s7, s6;
	s5 =	ssub.s32 s5, s31  }
0xb: {  	v1 =	vimm.s32 $0x0;
	v2 =	vimm.s32 $0x1;
	s7 =	simm.s32 $0x400;
	s6 =	sor.u32 $0x8000, s6;
	s5 =	smax.u32 s5, $0x1  }
0xc: {  	v5 =	vimm.f32 $0.0e+00;
	v4 =	vor.u32 $0x80000000, v0;
	v3 =	vadd.s32 $0xF, v3;
	s3 =	sadd.s32 s3, s6;
	s4 =	sadd.s32 s4, s6;
	s6 =	simm.s32 $0x80  }
.LBB2_1:
0xd: {  	[tilespmem:s2], [sflag:$0x1] =	stream.strided.gather [hbm4b:s3+s6], $0x2000, s7, s6, $0x38;
	[tilespmem:$0x4280] =	vst v63  }
0xe: {  	_ =	swait.ge [sflag:s8], $0x2000  }
0xf: {  	[sflag:s8] =	ssyncset.done $0x0  }
0x10: {  	[sflag:s8] =	ssyncadd.s32 $0xFFFFE000  }
0x11: {  	[tilespmem:$0x4000] =	vst v1  }
0x12: {  	[tilespmem:$0x4010] =	vst v1  }
0x13: {  	[tilespmem:$0x4020] =	vst v1  }
0x14: {  	[tilespmem:$0x4030] =	vst v1  }
0x15: {  	[tilespmem:$0x4040] =	vst v1  }
0x16: {  	[tilespmem:$0x4050] =	vst v1  }
0x17: {  	[tilespmem:$0x4060] =	vst v1  }
0x18: {  	[tilespmem:$0x4070] =	vst v1  }
0x19: {  	[tilespmem:$0x4080] =	vst v1  }
0x1a: {  	[tilespmem:$0x4090] =	vst v1  }
0x1b: {  	[tilespmem:$0x40A0] =	vst v1  }
0x1c: {  	[tilespmem:$0x40B0] =	vst v1  }
0x1d: {  	[tilespmem:$0x40C0] =	vst v1  }
0x1e: {  	[tilespmem:$0x40D0] =	vst v1  }
0x1f: {  	[tilespmem:$0x40E0] =	vst v1  }
0x20: {  	s12 =	simm.s32 $0x40;
	[tilespmem:$0x40F0] =	vst v1  }
0x21: {  	v6 =	vld [tilespmem:s12+$0xFFFFFFD0]  }
0x22: {  	v7 =	vld [tilespmem:s12+$0xFFFFFFC0]  }
0x23: {  	v8 =	vld [tilespmem:s12+$0x20]  }
0x24: {  	v10 =	vld [tilespmem:s12+$0xFFFFFFE0]  }
0x25: {  	v11 =	vld [tilespmem:s12+$0xFFFFFFF0];
	_ =	sdelay $0x2  }
0x26: {  	vm0 =	vlt.s32 v7, $0x0;
	vm1 =	vlt.s32 v6, $0x0;
	v9 =	vxor.u32 $0x7FFFFFFF, v6  }
0x27: {  	v12 =	vxor.u32 $0x7FFFFFFF, v7;
	vm13 =	vlt.s32 v8, $0x0;
	vm14 =	vlt.s32 v10, $0x0  }
0x28: {  	v15 =	vxor.u32 $0x7FFFFFFF, v8;
	vm15 =	vlt.s32 v11, $0x0;
	v6 =	vsel vm1, v9, v6;
	v9 =	vld [tilespmem:s12+$0x10]  }
0x29: {  	v13 =	vsel vm0, v12, v7;
	v12 =	vxor.u32 $0x7FFFFFFF, v10;
	v7 =	vshra.s32 v6, $0x18  }
0x2a: {  	v14 =	vsel vm14, v12, v10;
	v10 =	vsel vm13, v15, v8;
	v15 =	vxor.u32 $0x7FFFFFFF, v11;
	v12 =	vld [tilespmem:s12+$0x0]  }
0x2b: {  	s13 =	simm.s32 $0x2040;
	v18 =	vshra.s32 v13, $0x18;
	v7 =	vadd.s32 $0x80, v7;
	v8 =	vshra.s32 v14, $0x18  }
0x2c: {  	s14 =	simm.s32 $0x4020;
	s16 =	simm.s32 $0xC0;
	s17 =	simm.s32 $0x2040;
	[tilespmem:s13+$0xFFFFFFD0] =	vst v6;
	v17 =	vshra.s32 v10, $0x18;
	v6 =	vsel vm15, v15, v11;
	v11 =	vadd.s32 $0x80, v18  }
0x2d: {  	s15 =	simm.s32 $0x0;
	[tilespmem:s13+$0xFFFFFFC0] =	vst v13;
	v13 =	vld [tilespmem:s12+$0x30];
	s12 =	simm.s32 $0x4120;
	v8 =	vadd.s32 $0x80, v8;
	v15 =	vadd.s32 $0x80, v17;
	v16 =	vxor.u32 $0x7FFFFFFF, v9  }
.LBB2_2:
0x2e: {  	v17 =	vld [tilespmem:s16+$0xFFFFFFD0];
	s15 =	sadd.s32 $0x8, s15;
	[tilespmem:s13+$0xFFFFFFE0] =	vst v14;
	v14 =	vshra.s32 v6, $0x18;
	vm0 =	vlt.s32 v9, $0x0;
	s17 =	sadd.s32 $0x80, s17  }
0x2f: {  	v18 =	vld [tilespmem:s16+$0xFFFFFFC0];
	p0 =	slt.u32 s15, $0x1F8;
	vm1 =	vlt.s32 v12, $0x0;
	v19 =	vxor.u32 $0x7FFFFFFF, v12;
	v9 =	vsel vm0, v16, v9;
	[tilespmem:s13+$0x20] =	vst v10  }
0x30: {  	v10 =	vld [tilespmem:s16+$0xFFFFFFE0];
	v12 =	vsel vm1, v19, v12;
	[tilespmem:s13+$0x10] =	vst v9;
	v9 =	vshra.s32 v9, $0x18  }
0x31: {  	v16 =	vld [tilespmem:s16+$0x20];
	[tilespmem:s13+$0x0] =	vst v12;
	v12 =	vshra.s32 v12, $0x18;
	v9 =	vadd.s32 $0x80, v9  }
0x32: {  	v12 =	vadd.s32 $0x80, v12;
	[tilespmem:v15+s9+$0x0] =	vst.idx.add.s32.msk $0xffff, v2;
	vm0 =	vlt.s32 v13, $0x0;
	v15 =	vxor.u32 $0x7FFFFFFF, v13  }
0x33: {  	[tilespmem:v11+s9+$0x0] =	vst.idx.add.s32.msk $0xffff, v2;
	v11 =	vsel vm0, v15, v13  }
0x34: {  	v13 =	vld [tilespmem:s16+$0xFFFFFFF0];
	[tilespmem:s13+$0x30] =	vst v11;
	v11 =	vshra.s32 v11, $0x18  }
0x35: {  	v15 =	vadd.s32 $0x80, v14;
	[tilespmem:v7+s9+$0x0] =	vst.idx.add.s32.msk $0xffff, v2;
	v11 =	vadd.s32 $0x80, v11  }
0x36: {  	vm1 =	vlt.s32 v17, $0x0;
	vm0 =	vlt.s32 v18, $0x0;
	v7 =	vxor.u32 $0x7FFFFFFF, v17;
	[tilespmem:v9+s9+$0x0] =	vst.idx.add.s32.msk $0xffff, v2  }
0x37: {  	v9 =	vxor.u32 $0x7FFFFFFF, v18;
	v7 =	vsel vm1, v7, v17;
	vm1 =	vlt.s32 v16, $0x0;
	[tilespmem:v12+s9+$0x0] =	vst.idx.add.s32.msk $0xffff, v2  }
0x38: {  	v17 =	vsel vm0, v9, v18;
	v12 =	vxor.u32 $0x7FFFFFFF, v10;
	[tilespmem:s17+$0xFFFFFFD0] =	vst v7;
	v7 =	vshra.s32 v7, $0x18;
	v9 =	vld [tilespmem:s16+$0x10]  }
.Ltmp0:
0x39: {  	vm0 =	vlt.s32 v10, $0x0;
	v18 =	vxor.u32 $0x7FFFFFFF, v16;
	v7 =	vadd.s32 $0x80, v7;
	[tilespmem:v8+s9+$0x0] =	vst.idx.add.s32.msk $0xffff, v2;
	(pc) =	sbr.rel @p0 .LBB2_2-.Ltmp0, $4  }
0x3a: {  	v14 =	vsel vm0, v12, v10;
	v10 =	vsel vm1, v18, v16;
	vm0 =	vlt.s32 v13, $0x0;
	v12 =	vld [tilespmem:s16+$0x0];
	[tilespmem:s13+$0xFFFFFFF0] =	vst v6;
	s13 =	smov.u32 s17  }
0x3b: {  	v16 =	vxor.u32 $0x7FFFFFFF, v13;
	v18 =	vshra.s32 v10, $0x18;
	v6 =	vshra.s32 v14, $0x18;
	[tilespmem:v11+s9+$0x0] =	vst.idx.add.s32.msk $0xffff, v2  }
0x3c: {  	v11 =	vshra.s32 v17, $0x18;
	v8 =	vadd.s32 $0x80, v6;
	v6 =	vsel vm0, v16, v13;
	[tilespmem:v15+s9+$0x0] =	vst.idx.add.s32.msk $0xffff, v2  }
0x3d: {  	v11 =	vadd.s32 $0x80, v11;
	v15 =	vadd.s32 $0x80, v18;
	[tilespmem:s17+$0xFFFFFFC0] =	vst v17;
	v16 =	vxor.u32 $0x7FFFFFFF, v9;
	v13 =	vld [tilespmem:s16+$0x30];
	s16 =	sadd.s32 $0x80, s16  }
0x3e: {  	_ =	sdelay $0x1  }
0x3f: {  	[tilespmem:s13+$0xFFFFFFE0] =	vst v14  }
0x40: {  	[tilespmem:s13+$0x20] =	vst v10  }
0x41: {  	vm0 =	vlt.s32 v9, $0x0;
	[tilespmem:v11+s9+$0x0] =	vst.idx.add.s32.msk $0xffff, v2;
	vm1 =	vlt.s32 v12, $0x0;
	v14 =	vxor.u32 $0x7FFFFFFF, v12  }
0x42: {  	[tilespmem:v7+s9+$0x0] =	vst.idx.add.s32.msk $0xffff, v2;
	v9 =	vsel vm0, v16, v9;
	v10 =	vsel vm1, v14, v12  }
0x43: {  	[tilespmem:s13+$0x10] =	vst v9;
	v9 =	vshra.s32 v9, $0x18;
	vm15 =	vlt.s32 v13, $0x0;
	v12 =	vxor.u32 $0x7FFFFFFF, v13  }
0x44: {  	[tilespmem:s13+$0x0] =	vst v10;
	v10 =	vshra.s32 v10, $0x18;
	v9 =	vadd.s32 $0x80, v9;
	v11 =	vsel vm15, v12, v13  }
0x45: {  	v10 =	vadd.s32 $0x80, v10;
	[tilespmem:s13+$0x30] =	vst v11;
	v11 =	vshra.s32 v11, $0x18  }
0x46: {  	[tilespmem:s13+$0xFFFFFFF0] =	vst v6;
	v12 =	vshra.s32 v6, $0x18;
	v7 =	vadd.s32 $0x80, v11  }
0x47: {  	[tilespmem:v15+s9+$0x0] =	vst.idx.add.s32.msk $0xffff, v2;
	v11 =	vadd.s32 $0x80, v12  }
0x48: {  	[tilespmem:v8+s9+$0x0] =	vst.idx.add.s32.msk $0xffff, v2  }
0x49: {  	[tilespmem:v9+s9+$0x0] =	vst.idx.add.s32.msk $0xffff, v2  }
0x4a: {  	[tilespmem:v10+s9+$0x0] =	vst.idx.add.s32.msk $0xffff, v2  }
0x4b: {  	[tilespmem:v7+s9+$0x0] =	vst.idx.add.s32.msk $0xffff, v2  }
0x4c: {  	[tilespmem:v11+s9+$0x0] =	vst.idx.add.s32.msk $0xffff, v2  }
0x4d: {  	v6 =	vld [tilespmem:s14+$0x0]  }
0x4e: {  	v7 =	vld [tilespmem:s14+$0xFFFFFFE0]  }
0x4f: {  	v8 =	vld [tilespmem:s14+$0xFFFFFFF0];
	_ =	sdelay $0x1  }
0x50: {  	v9 =	vld [tilespmem:s14+$0x10]  }
0x51: {  	v6 =	vperm.xlane v6, v3  }
0x52: {  	s28 =	simm.s32 $0x4060;
	v7 =	vperm.xlane v7, v3  }
0x53: {  	v10 =	vld [tilespmem:s28+$0xFFFFFFE0];
	(xrf0) =	vadd.scan.msk.s32 $0xffff, v6;
	v6 =	vperm.xlane v8, v3  }
0x54: {  	s15 =	simm.s32 $0x2;
	(xrf0) =	vadd.scan.msk.s32 $0xffff, v7  }
0x55: {  	v7 =	vperm.xlane v9, v3;
	v9 =	vld [tilespmem:s28+$0x0];
	(xrf0) =	vadd.scan.msk.s32 $0xffff, v6;
	v6 =	vmov s15  }
0x56: {  	s29 =	simm.s32 $0x0;
	v12 =	vld [tilespmem:s28+$0xFFFFFFF0];
	v6 =	vand.u32 $0xFFFFFFFE, v6  }
0x57: {  	v13 =	vld [tilespmem:s28+$0x10];
	v8 =	vmov s29;
	(xrf0) =	vadd.scan.msk.s32 $0xffff, v7  }
0x58: {  	v16 =	vperm.xlane v10, v3;
	v7 =	vand.u32 $0xFFFFFFFC, v8  }
0x59: {  	s30 =	simm.s32 $0x1;
	v8 =	vbroadcast v6, $0x0;
	v7 =	vbroadcast v7, $0x0;
	v6, _, _ =	vpop (xrf0)  }
0x5a: {  	v14 =	vmov s30;
	v9 =	vperm.xlane v9, v3;
	v11 =	vperm.xlane v6, v3;
	v6, _, _ =	vpop (xrf0)  }
0x5b: {  	v12 =	vperm.xlane v12, v3;
	v10 =	vperm.xlane v6, v3  }
0x5c: {  	s31 =	simm.s32 $0x3;
	s16 =	simm.s32 $0x8;
	v13 =	vperm.xlane v13, v3;
	v6 =	vand.u32 $0xFFFFFFFD, v14;
	(xrf0) =	vadd.scan.msk.s32 $0xffff, v9;
	v15, _, _ =	vpop (xrf0);
	[tilespmem:s12+$0x0] =	vst v11  }
0x5d: {  	s13 =	simm.s32 $0x4;
	s14 =	simm.s32 $0x4120;
	s15 =	simm.s32 $0x40A0;
	v9 =	vmov s31;
	v6 =	vbroadcast v6, $0x0;
	(xrf0) =	vadd.scan.msk.s32 $0xffff, v16;
	v14, _, _ =	vpop (xrf0);
	[tilespmem:s12+$0xFFFFFFE0] =	vst v10  }
.LBB2_4:
0x5e: {  	s17 =	sadd.s32 $0x2, s13  }
0x5f: {  	v16 =	vld [tilespmem:s15+$0x0];
	v15 =	vperm.xlane v15, v3;
	[tilespmem:v8+s10+$0x0] =	vst.idx.msk $0x1, v11;
	s12 =	sadd.s32 $0x40, s12;
	s18 =	smov.u32 s16;
	s19 =	sadd.s32 $0x4, s16  }
0x60: {  	p0 =	slt.u32 s16, $0xC;
	v17 =	vld [tilespmem:s15+$0xFFFFFFE0];
	v8 =	vmov s17;
	(xrf0) =	vadd.scan.msk.s32 $0xffff, v12;
	[tilespmem:v7+s10+$0x0] =	vst.idx.msk $0x1, v10;
	v10 =	vperm.xlane v14, v3  }
0x61: {  	v7 =	vmov s13;
	v12 =	vld [tilespmem:s15+$0xFFFFFFF0];
	v8 =	vand.u32 $0xFFFFFFFE, v8;
	(xrf0) =	vadd.scan.msk.s32 $0xffff, v13;
	[tilespmem:s14+$0xFFFFFFF0] =	vst v15  }
0x62: {  	v7 =	vand.u32 $0xFFFFFFFC, v7;
	v13 =	vld [tilespmem:s15+$0x10];
	v8 =	vbroadcast v8, $0x0;
	[tilespmem:s14+$0x10] =	vst v10;
	s14 =	smov.u32 s12  }
.Ltmp1:
0x63: {  	s16 =	sadd.s32 $0x1, s13;
	v7 =	vbroadcast v7, $0x0;
	v11, _, _ =	vpop (xrf0);
	[tilespmem:v9+s10+$0x0] =	vst.idx.msk $0x1, v10;
	(pc) =	sbr.rel @p0 .LBB2_4-.Ltmp1, $4  }
0x64: {  	v14 =	vmov s16;
	v9 =	vperm.xlane v16, v3;
	v11 =	vperm.xlane v11, v3;
	v10, _, _ =	vpop (xrf0);
	[tilespmem:v6+s10+$0x0] =	vst.idx.msk $0x1, v15  }
0x65: {  	v6 =	vand.u32 $0xFFFFFFFD, v14;
	v16 =	vperm.xlane v17, v3;
	v10 =	vperm.xlane v10, v3  }
0x66: {  	s16 =	sadd.s32 $0x3, s13;
	s13 =	smov.u32 s18;
	v6 =	vbroadcast v6, $0x0;
	v12 =	vperm.xlane v12, v3;
	(xrf0) =	vadd.scan.msk.s32 $0xffff, v9;
	[tilespmem:s12+$0x0] =	vst v11;
	v15, _, _ =	vpop (xrf0)  }
0x67: {  	s15 =	sadd.s32 $0x40, s15;
	v9 =	vmov s16;
	s16 =	smov.u32 s19;
	v13 =	vperm.xlane v13, v3;
	(xrf0) =	vadd.scan.msk.s32 $0xffff, v16;
	[tilespmem:s12+$0xFFFFFFE0] =	vst v10;
	v14, _, _ =	vpop (xrf0)  }
0x68: {  	_ =	sdelay $0x2  }
0x69: {  	s15 =	sadd.s32 $0x2, s13  }
0x6a: {  	v15 =	vperm.xlane v15, v3;
	[tilespmem:v8+s10+$0x0] =	vst.idx.msk $0x1, v11;
	(xrf0) =	vadd.scan.msk.s32 $0xffff, v12;
	v8 =	vmov s15  }
0x6b: {  	[tilespmem:v7+s10+$0x0] =	vst.idx.msk $0x1, v10;
	v7 =	vperm.xlane v14, v3;
	v10 =	vmov s13;
	v8 =	vand.u32 $0xFFFFFFFE, v8  }
0x6c: {  	(xrf0) =	vadd.scan.msk.s32 $0xffff, v13;
	v10 =	vand.u32 $0xFFFFFFFC, v10;
	[tilespmem:s14+$0xFFFFFFF0] =	vst v15;
	v8 =	vbroadcast v8, $0x0  }
0x6d: {  	s25 =	sadd.s32 $0x1, s13;
	[tilespmem:s14+$0x10] =	vst v7;
	v10 =	vbroadcast v10, $0x0;
	v11, _, _ =	vpop (xrf0)  }
0x6e: {  	[tilespmem:v9+s10+$0x0] =	vst.idx.msk $0x1, v7;
	v7 =	vperm.xlane v11, v3;
	v9, _, _ =	vpop (xrf0);
	v11 =	vmov s25  }
0x6f: {  	s12 =	sadd.s32 $0x40, s12;
	[tilespmem:v6+s10+$0x0] =	vst.idx.msk $0x1, v15;
	v6 =	vperm.xlane v9, v3  }
0x70: {  	s26 =	sadd.s32 $0x3, s13;
	v9 =	vand.u32 $0xFFFFFFFD, v11;
	[tilespmem:s12+$0x0] =	vst v7  }
0x71: {  	v12 =	vmov s26;
	v9 =	vbroadcast v9, $0x0;
	v11, _, _ =	vpop (xrf0);
	[tilespmem:s12+$0xFFFFFFE0] =	vst v6  }
0x72: {  	v13, _, _ =	vpop (xrf0);
	v11 =	vperm.xlane v11, v3;
	[tilespmem:v8+s10+$0x0] =	vst.idx.msk $0x1, v7  }
0x73: {  	[tilespmem:v10+s10+$0x0] =	vst.idx.msk $0x1, v6;
	v6 =	vperm.xlane v13, v3  }
0x74: {  	[tilespmem:s12+$0xFFFFFFF0] =	vst v11  }
0x75: {  	[tilespmem:s12+$0x10] =	vst v6  }
0x76: {  	[tilespmem:v12+s10+$0x0] =	vst.idx.msk $0x1, v6  }
0x77: {  	[tilespmem:v9+s10+$0x0] =	vst.idx.msk $0x1, v11  }
0x78: {  	v6 =	vld [tilespmem:$0x4200];
	_ =	sdelay $0x4  }
0x79: {  	v7 =	vperm.xlane v6, v3;
	_ =	sdelay $0x1  }
0x7a: {  	(xrf0) =	vadd.scan.msk.s32 $0xffff, v7;
	_ =	sdelay $0x5  }
0x7b: {  	v7, _, _ =	vpop (xrf0)  }
0x7c: {  	v7 =	vperm.xlane v7, v3;
	_ =	sdelay $0x1  }
0x7d: {  	vm0 =	vgt.s32 v7, $0x199  }
0x7e: {  	v8 =	vnsel vm0, $0x7FFFFFFF, v4  }
0x7f: {  	(xrf0) =	vmax.scan.msk.u32 $0xffff, v8;
	_ =	sdelay $0x5  }
0x80: {  	v8, _, _ =	vpop (xrf0)  }
0x81: {  	(v2sf) =	vpush v8, $0xF;
	_ =	sdelay $0xe  }
0x82: {  	s28 =	spop (v2sf)  }
0x83: {  	s29 =	sxor.u32 $0x80000000, s28  }
0x84: {  	v6 =	vsub.s32 v7, v6;
	v7 =	vmov s29  }
0x85: {  	v6 =	vxor.u32 $0x80000000, v6;
	vm0 =	veq.s32 v7, v0  }
0x86: {  	v6 =	vnsel vm0, $0x0, v6  }
0x87: {  	(xrf0) =	vmax.scan.msk.u32 $0xffff, v6;
	_ =	sdelay $0x5  }
0x88: {  	v6, _, _ =	vpop (xrf0)  }
0x89: {  	(v2sf) =	vpush v6, $0xF;
	_ =	sdelay $0xa  }
0x8a: {  	s12 =	sshll.u32 s28, $0x4  }
0x8b: {  	v6 =	vld [tilespmem:s12+$0x4100];
	_ =	sdelay $0x2  }
0x8c: {  	s30 =	spop (v2sf)  }
0x8d: {  	s13 =	sxor.u32 $0x80000000, s30  }
0x8e: {  	v7 =	vadd.s32 s13, v6;
	v6 =	vor.u32 s12, v0  }
0x8f: {  	vm0 =	vgt.s32 v7, $0x199;
	v8 =	vxor.u32 $0x80000000, v6  }
0x90: {  	v8 =	vnsel vm0, $0x7FFFFFFF, v8  }
0x91: {  	(xrf0) =	vmax.scan.msk.u32 $0xffff, v8;
	_ =	sdelay $0x2  }
0x92: {  	v8 =	vld [tilespmem:s12+$0x4000];
	[tilespmem:$0x4000] =	vst v1  }
0x93: {  	[tilespmem:$0x4010] =	vst v1  }
0x94: {  	[tilespmem:$0x4020] =	vst v1  }
0x95: {  	[tilespmem:$0x4030] =	vst v1;
	v9, _, _ =	vpop (xrf0)  }
0x96: {  	[tilespmem:$0x4040] =	vst v1;
	(v2sf) =	vpush v9, $0xF  }
0x97: {  	[tilespmem:$0x4050] =	vst v1  }
0x98: {  	[tilespmem:$0x4060] =	vst v1  }
0x99: {  	[tilespmem:$0x4070] =	vst v1  }
0x9a: {  	[tilespmem:$0x4080] =	vst v1  }
0x9b: {  	[tilespmem:$0x4090] =	vst v1  }
0x9c: {  	[tilespmem:$0x40A0] =	vst v1  }
0x9d: {  	[tilespmem:$0x40B0] =	vst v1  }
0x9e: {  	[tilespmem:$0x40C0] =	vst v1  }
0x9f: {  	[tilespmem:$0x40D0] =	vst v1  }
0xa0: {  	[tilespmem:$0x40E0] =	vst v1  }
0xa1: {  	s31 =	simm.s32 $0x2040;
	[tilespmem:$0x40F0] =	vst v1  }
0xa2: {  	v10 =	vld [tilespmem:s31+$0xFFFFFFC0]  }
0xa3: {  	v12 =	vld [tilespmem:s31+$0xFFFFFFE0];
	_ =	sdelay $0x1  }
0xa4: {  	s12 =	spop (v2sf)  }
0xa5: {  	v14 =	vld [tilespmem:s31+$0xFFFFFFF0];
	s13 =	sadd.s32 $0x7FFFFF80, s12  }
0xa6: {  	v16 =	vld [tilespmem:s31+$0x20];
	v11 =	vshra.s32 v10, $0x18;
	v9 =	vmov s13  }
0xa7: {  	v10 =	vshrl.u32 v10, $0x10;
	v13 =	vshra.s32 v12, $0x18;
	vm3 =	veq.s32 v11, v9  }
0xa8: {  	v18 =	vld [tilespmem:s31+$0x30];
	v12 =	vshrl.u32 v12, $0x10;
	v17 =	vand.u32 $0xFF, v10;
	vm2 =	veq.s32 v13, v9  }
0xa9: {  	v10 =	vld [tilespmem:s31+$0xFFFFFFD0];
	v13 =	vand.u32 $0xFF, v12;
	_ =	sdelay $0x1  }
0xaa: {  	v19 =	vshra.s32 v16, $0x18;
	v11 =	vshrl.u32 v14, $0x10;
	v12 =	vshra.s32 v14, $0x18;
	v14 =	vld [tilespmem:s31+$0x10]  }
0xab: {  	v15 =	vld [tilespmem:s31+$0x0];
	vm1 =	veq.s32 v19, v9;
	vm0 =	veq.s32 v12, v9;
	v12 =	vshrl.u32 v16, $0x10  }
0xac: {  	s15 =	simm.s32 $0x20C0;
	s14 =	simm.s32 $0x0;
	v16 =	vshrl.u32 v18, $0x10;
	v12 =	vand.u32 $0xFF, v12;
	[tilespmem:v17+s9+$0x0] =	vst.idx.add.s32.msk vm3, v2;
	v17 =	vshra.s32 v18, $0x18  }
.LBB2_6:
0xad: {  	s14 =	sadd.s32 $0x8, s14;
	v18 =	vshra.s32 v10, $0x18;
	[tilespmem:v13+s9+$0x0] =	vst.idx.add.s32.msk vm2, v2;
	vm3 =	veq.s32 v17, v9  }
0xae: {  	v10 =	vshrl.u32 v10, $0x10;
	v13 =	vand.u32 $0xFF, v11;
	v17 =	vld [tilespmem:s15+$0xFFFFFFF0];
	p0 =	slt.u32 s14, $0x1F8;
	vm4 =	veq.s32 v18, v9  }
0xaf: {  	v16 =	vand.u32 $0xFF, v16;
	v19 =	vand.u32 $0xFF, v10;
	v18 =	vld [tilespmem:s15+$0xFFFFFFE0];
	v10 =	vshra.s32 v14, $0x18  }
0xb0: {  	v20 =	vld [tilespmem:s15+$0xFFFFFFC0];
	v11 =	vshra.s32 v15, $0x18;
	vm5 =	veq.s32 v10, v9;
	v10 =	vshrl.u32 v14, $0x10  }
0xb1: {  	v21 =	vld [tilespmem:s15+$0x30];
	vm6 =	veq.s32 v11, v9;
	v11 =	vshrl.u32 v15, $0x10;
	v14 =	vand.u32 $0xFF, v10  }
0xb2: {  	v22 =	vld [tilespmem:s15+$0x20];
	v15 =	vand.u32 $0xFF, v11  }
0xb3: {  	v10 =	vld [tilespmem:s15+$0xFFFFFFD0];
	v11 =	vshrl.u32 v17, $0x10  }
0xb4: {  	[tilespmem:v13+s9+$0x0] =	vst.idx.add.s32.msk vm0, v2  }
0xb5: {  	v23 =	vshra.s32 v18, $0x18;
	v18 =	vshrl.u32 v18, $0x10;
	v13 =	vshra.s32 v20, $0x18;
	[tilespmem:v12+s9+$0x0] =	vst.idx.add.s32.msk vm1, v2  }
0xb6: {  	v12 =	vshrl.u32 v20, $0x10;
	vm2 =	veq.s32 v23, v9;
	vm7 =	veq.s32 v13, v9;
	[tilespmem:v14+s9+$0x0] =	vst.idx.add.s32.msk vm5, v2  }
0xb7: {  	v12 =	vand.u32 $0xFF, v12;
	v13 =	vand.u32 $0xFF, v18;
	[tilespmem:v15+s9+$0x0] =	vst.idx.add.s32.msk vm6, v2  }
.Ltmp2:
0xb8: {  	v14 =	vshra.s32 v17, $0x18;
	[tilespmem:v16+s9+$0x0] =	vst.idx.add.s32.msk vm3, v2;
	(pc) =	sbr.rel @p0 .LBB2_6-.Ltmp2, $4  }
0xb9: {  	vm0 =	veq.s32 v14, v9;
	[tilespmem:v19+s9+$0x0] =	vst.idx.add.s32.msk vm4, v2  }
0xba: {  	v16 =	vshra.s32 v22, $0x18;
	v14 =	vld [tilespmem:s15+$0x10]  }
0xbb: {  	vm1 =	veq.s32 v16, v9;
	v16 =	vshrl.u32 v22, $0x10;
	v15 =	vld [tilespmem:s15+$0x0]  }
0xbc: {  	s16 =	simm.s32 $0x4020;
	v17 =	vshra.s32 v21, $0x18;
	s15 =	sadd.s32 $0x80, s15;
	[tilespmem:v12+s9+$0x0] =	vst.idx.add.s32.msk vm7, v2;
	v12 =	vand.u32 $0xFF, v16;
	v16 =	vshrl.u32 v21, $0x10  }
0xbd: {  	_ =	sdelay $0x1  }
0xbe: {  	v11 =	vand.u32 $0xFF, v11;
	v18 =	vshra.s32 v14, $0x18  }
0xbf: {  	v14 =	vshrl.u32 v14, $0x10;
	vm3 =	veq.s32 v18, v9;
	v18 =	vshra.s32 v15, $0x18  }
0xc0: {  	v15 =	vshrl.u32 v15, $0x10;
	v14 =	vand.u32 $0xFF, v14;
	vm4 =	veq.s32 v18, v9  }
0xc1: {  	vm5 =	veq.s32 v17, v9;
	v18 =	vshra.s32 v10, $0x18;
	v15 =	vand.u32 $0xFF, v15  }
0xc2: {  	[tilespmem:v13+s9+$0x0] =	vst.idx.add.s32.msk vm2, v2;
	vm15 =	veq.s32 v18, v9;
	v9 =	vshrl.u32 v10, $0x10;
	v10 =	vand.u32 $0xFF, v16  }
0xc3: {  	[tilespmem:v12+s9+$0x0] =	vst.idx.add.s32.msk vm1, v2;
	v9 =	vand.u32 $0xFF, v9  }
0xc4: {  	[tilespmem:v11+s9+$0x0] =	vst.idx.add.s32.msk vm0, v2  }
0xc5: {  	[tilespmem:v14+s9+$0x0] =	vst.idx.add.s32.msk vm3, v2  }
0xc6: {  	[tilespmem:v15+s9+$0x0] =	vst.idx.add.s32.msk vm4, v2  }
0xc7: {  	[tilespmem:v10+s9+$0x0] =	vst.idx.add.s32.msk vm5, v2  }
0xc8: {  	[tilespmem:v9+s9+$0x0] =	vst.idx.add.s32.msk vm15, v2  }
0xc9: {  	v9 =	vld [tilespmem:s16+$0x0]  }
0xca: {  	v10 =	vld [tilespmem:s16+$0xFFFFFFE0]  }
0xcb: {  	v11 =	vld [tilespmem:s16+$0xFFFFFFF0];
	_ =	sdelay $0x1  }
0xcc: {  	v12 =	vld [tilespmem:s16+$0x10]  }
0xcd: {  	v9 =	vperm.xlane v9, v3  }
0xce: {  	s14 =	simm.s32 $0x4060;
	v10 =	vperm.xlane v10, v3  }
0xcf: {  	v13 =	vld [tilespmem:s14+$0xFFFFFFE0];
	(xrf0) =	vadd.scan.msk.s32 $0xffff, v9;
	v9 =	vperm.xlane v11, v3  }
0xd0: {  	s29 =	simm.s32 $0x2;
	(xrf0) =	vadd.scan.msk.s32 $0xffff, v10  }
0xd1: {  	v10 =	vperm.xlane v12, v3;
	v12 =	vld [tilespmem:s14+$0x0];
	(xrf0) =	vadd.scan.msk.s32 $0xffff, v9;
	v9 =	vmov s29  }
0xd2: {  	s15 =	simm.s32 $0x0;
	v15 =	vld [tilespmem:s14+$0xFFFFFFF0];
	v9 =	vand.u32 $0xFFFFFFFE, v9  }
0xd3: {  	v16 =	vld [tilespmem:s14+$0x10];
	v11 =	vmov s15;
	(xrf0) =	vadd.scan.msk.s32 $0xffff, v10  }
0xd4: {  	s30 =	simm.s32 $0x1;
	v18 =	vperm.xlane v13, v3;
	v10 =	vand.u32 $0xFFFFFFFC, v11  }
0xd5: {  	v17 =	vmov s30;
	v11 =	vbroadcast v9, $0x0;
	v10 =	vbroadcast v10, $0x0;
	v9, _, _ =	vpop (xrf0)  }
0xd6: {  	v12 =	vperm.xlane v12, v3;
	v14 =	vperm.xlane v9, v3;
	v9, _, _ =	vpop (xrf0)  }
0xd7: {  	v15 =	vperm.xlane v15, v3;
	s15 =	simm.s32 $0x4120;
	v13 =	vperm.xlane v9, v3  }
0xd8: {  	s31 =	simm.s32 $0x3;
	s18 =	simm.s32 $0x8;
	v16 =	vperm.xlane v16, v3;
	v9 =	vand.u32 $0xFFFFFFFD, v17;
	(xrf0) =	vadd.scan.msk.s32 $0xffff, v12;
	v17, _, _ =	vpop (xrf0);
	[tilespmem:s15+$0x0] =	vst v14  }
0xd9: {  	s17 =	simm.s32 $0x40A0;
	s16 =	simm.s32 $0x4120;
	s14 =	simm.s32 $0x4;
	v12 =	vmov s31;
	v9 =	vbroadcast v9, $0x0;
	(xrf0) =	vadd.scan.msk.s32 $0xffff, v18;
	v18, _, _ =	vpop (xrf0);
	[tilespmem:s15+$0xFFFFFFE0] =	vst v13  }
.LBB2_8:
0xda: {  	s19 =	sadd.s32 $0x2, s14  }
0xdb: {  	v19 =	vld [tilespmem:s17+$0x0];
	v17 =	vperm.xlane v17, v3;
	[tilespmem:v11+s10+$0x0] =	vst.idx.msk $0x1, v14;
	s15 =	sadd.s32 $0x40, s15;
	s20 =	smov.u32 s18;
	s21 =	sadd.s32 $0x4, s18  }
0xdc: {  	p0 =	slt.u32 s18, $0xC;
	v20 =	vld [tilespmem:s17+$0xFFFFFFE0];
	v11 =	vmov s19;
	(xrf0) =	vadd.scan.msk.s32 $0xffff, v15;
	[tilespmem:v10+s10+$0x0] =	vst.idx.msk $0x1, v13;
	v13 =	vperm.xlane v18, v3  }
0xdd: {  	v10 =	vmov s14;
	v15 =	vld [tilespmem:s17+$0xFFFFFFF0];
	v11 =	vand.u32 $0xFFFFFFFE, v11;
	(xrf0) =	vadd.scan.msk.s32 $0xffff, v16;
	[tilespmem:s16+$0xFFFFFFF0] =	vst v17  }
0xde: {  	v10 =	vand.u32 $0xFFFFFFFC, v10;
	v16 =	vld [tilespmem:s17+$0x10];
	v11 =	vbroadcast v11, $0x0;
	[tilespmem:s16+$0x10] =	vst v13;
	s16 =	smov.u32 s15  }
.Ltmp3:
0xdf: {  	s18 =	sadd.s32 $0x1, s14;
	v10 =	vbroadcast v10, $0x0;
	v14, _, _ =	vpop (xrf0);
	[tilespmem:v12+s10+$0x0] =	vst.idx.msk $0x1, v13;
	(pc) =	sbr.rel @p0 .LBB2_8-.Ltmp3, $4  }
0xe0: {  	v18 =	vmov s18;
	v12 =	vperm.xlane v19, v3;
	v14 =	vperm.xlane v14, v3;
	v13, _, _ =	vpop (xrf0);
	[tilespmem:v9+s10+$0x0] =	vst.idx.msk $0x1, v17  }
0xe1: {  	v9 =	vand.u32 $0xFFFFFFFD, v18;
	v19 =	vperm.xlane v20, v3;
	v13 =	vperm.xlane v13, v3  }
0xe2: {  	s18 =	sadd.s32 $0x3, s14;
	s14 =	smov.u32 s20;
	v9 =	vbroadcast v9, $0x0;
	v15 =	vperm.xlane v15, v3;
	(xrf0) =	vadd.scan.msk.s32 $0xffff, v12;
	[tilespmem:s15+$0x0] =	vst v14;
	v17, _, _ =	vpop (xrf0)  }
0xe3: {  	s17 =	sadd.s32 $0x40, s17;
	v12 =	vmov s18;
	s18 =	smov.u32 s21;
	v16 =	vperm.xlane v16, v3;
	(xrf0) =	vadd.scan.msk.s32 $0xffff, v19;
	[tilespmem:s15+$0xFFFFFFE0] =	vst v13;
	v18, _, _ =	vpop (xrf0)  }
0xe4: {  	_ =	sdelay $0x3  }
0xe5: {  	[tilespmem:v11+s10+$0x0] =	vst.idx.msk $0x1, v14  }
0xe6: {  	s17 =	sadd.s32 $0x2, s14;
	v11 =	vperm.xlane v17, v3;
	[tilespmem:v10+s10+$0x0] =	vst.idx.msk $0x1, v13;
	v13 =	vmov s14  }
0xe7: {  	v10 =	vperm.xlane v18, v3;
	v14 =	vmov s17;
	v13 =	vand.u32 $0xFFFFFFFC, v13  }
0xe8: {  	(xrf0) =	vadd.scan.msk.s32 $0xffff, v15;
	v14 =	vand.u32 $0xFFFFFFFE, v14  }
0xe9: {  	s12 =	sxor.u32 $0x80000000, s12;
	v7 =	vsub.s32 v7, v8;
	(xrf0) =	vadd.scan.msk.s32 $0xffff, v16;
	[tilespmem:s16+$0xFFFFFFF0] =	vst v11;
	v14 =	vbroadcast v14, $0x0  }
0xea: {  	s23 =	sadd.s32 $0x1, s14;
	vm0 =	veq.s32 v6, s12;
	v6 =	vxor.u32 $0x80000000, v7;
	[tilespmem:s16+$0x10] =	vst v10;
	v8 =	vbroadcast v13, $0x0;
	v13, _, _ =	vpop (xrf0)  }
0xeb: {  	v6 =	vnsel vm0, $0x7FFFFFFF, v6;
	[tilespmem:v12+s10+$0x0] =	vst.idx.msk $0x1, v10;
	v12 =	vmov s23;
	v7 =	vperm.xlane v13, v3;
	v10, _, _ =	vpop (xrf0)  }
0xec: {  	s15 =	sadd.s32 $0x40, s15;
	[tilespmem:v9+s10+$0x0] =	vst.idx.msk $0x1, v11;
	(xrf0) =	vmax.scan.msk.u32 $0xffff, v6;
	v6 =	vand.u32 $0xFFFFFFFD, v12;
	v9 =	vperm.xlane v10, v3  }
0xed: {  	v6 =	vbroadcast v6, $0x0;
	[tilespmem:s15+$0x0] =	vst v7  }
0xee: {  	s24 =	sadd.s32 $0x3, s14;
	v10, _, _ =	vpop (xrf0);
	[tilespmem:s15+$0xFFFFFFE0] =	vst v9  }
0xef: {  	v11 =	vmov s24;
	v12, _, _ =	vpop (xrf0);
	v10 =	vperm.xlane v10, v3;
	[tilespmem:v14+s10+$0x0] =	vst.idx.msk $0x1, v7  }
0xf0: {  	[tilespmem:v8+s10+$0x0] =	vst.idx.msk $0x1, v9;
	v7 =	vperm.xlane v12, v3  }
0xf1: {  	[tilespmem:s15+$0xFFFFFFF0] =	vst v10  }
0xf2: {  	v8, _, _ =	vpop (xrf0);
	[tilespmem:s15+$0x10] =	vst v7  }
0xf3: {  	(v2sf) =	vpush v8, $0xF;
	[tilespmem:v6+s10+$0x0] =	vst.idx.msk $0x1, v10  }
0xf4: {  	[tilespmem:v11+s10+$0x0] =	vst.idx.msk $0x1, v7  }
0xf5: {  	v6 =	vld [tilespmem:$0x4200];
	_ =	sdelay $0x4  }
0xf6: {  	v7 =	vperm.xlane v6, v3;
	_ =	sdelay $0x1  }
0xf7: {  	(xrf0) =	vadd.scan.msk.s32 $0xffff, v7;
	_ =	sdelay $0x5  }
0xf8: {  	s25 =	spop (v2sf);
	v7, _, _ =	vpop (xrf0)  }
0xf9: {  	s12 =	sxor.u32 $0x80000000, s25;
	v7 =	vperm.xlane v7, v3  }
0xfa: {  	s14 =	ssub.s32 $0x19A, s12  }
0xfb: {  	vm0 =	vlt.s32 v7, s14  }
0xfc: {  	v8 =	vsel vm0, $0x7FFFFFFF, v4  }
0xfd: {  	(xrf0) =	vmax.scan.msk.u32 $0xffff, v8;
	_ =	sdelay $0x5  }
0xfe: {  	v8, _, _ =	vpop (xrf0)  }
0xff: {  	(v2sf) =	vpush v8, $0xF;
	_ =	sdelay $0xe  }
0x100: {  	s26 =	spop (v2sf)  }
0x101: {  	s28 =	sxor.u32 $0x80000000, s26  }
0x102: {  	v6 =	vsub.s32 v7, v6;
	v7 =	vmov s28  }
0x103: {  	v6 =	vxor.u32 $0x80000000, v6;
	vm0 =	veq.s32 v7, v0  }
0x104: {  	v6 =	vnsel vm0, $0x0, v6  }
0x105: {  	(xrf0) =	vmax.scan.msk.u32 $0xffff, v6;
	_ =	sdelay $0x5  }
0x106: {  	v6, _, _ =	vpop (xrf0)  }
0x107: {  	(v2sf) =	vpush v6, $0xF;
	_ =	sdelay $0xa  }
0x108: {  	s15 =	sshll.u32 s26, $0x4  }
0x109: {  	v6 =	vld [tilespmem:s15+$0x4100];
	_ =	sdelay $0x2  }
0x10a: {  	s29 =	spop (v2sf)  }
0x10b: {  	s16 =	sxor.u32 $0x80000000, s29  }
0x10c: {  	v7 =	vadd.s32 s16, v6;
	v6 =	vor.u32 s15, v0  }
0x10d: {  	vm0 =	vlt.s32 v7, s14;
	v8 =	vxor.u32 $0x80000000, v6  }
0x10e: {  	v8 =	vsel vm0, $0x7FFFFFFF, v8  }
0x10f: {  	(xrf0) =	vmax.scan.msk.u32 $0xffff, v8;
	_ =	sdelay $0x3  }
0x110: {  	v8 =	vld [tilespmem:s15+$0x4000];
	[tilespmem:$0x4000] =	vst v1  }
0x111: {  	[tilespmem:$0x4010] =	vst v1  }
0x112: {  	[tilespmem:$0x4020] =	vst v1;
	v9, _, _ =	vpop (xrf0)  }
0x113: {  	[tilespmem:$0x4030] =	vst v1;
	(v2sf) =	vpush v9, $0xF  }
0x114: {  	[tilespmem:$0x4040] =	vst v1  }
0x115: {  	[tilespmem:$0x4050] =	vst v1  }
0x116: {  	[tilespmem:$0x4060] =	vst v1  }
0x117: {  	[tilespmem:$0x4070] =	vst v1  }
0x118: {  	[tilespmem:$0x4080] =	vst v1  }
0x119: {  	[tilespmem:$0x4090] =	vst v1  }
0x11a: {  	[tilespmem:$0x40A0] =	vst v1  }
0x11b: {  	[tilespmem:$0x40B0] =	vst v1  }
0x11c: {  	[tilespmem:$0x40C0] =	vst v1  }
0x11d: {  	[tilespmem:$0x40D0] =	vst v1  }
0x11e: {  	[tilespmem:$0x40E0] =	vst v1  }
0x11f: {  	s30 =	simm.s32 $0x2040;
	[tilespmem:$0x40F0] =	vst v1  }
0x120: {  	v10 =	vld [tilespmem:s30+$0xFFFFFFC0]  }
0x121: {  	v12 =	vld [tilespmem:s30+$0xFFFFFFE0]  }
0x122: {  	s31 =	spop (v2sf)  }
0x123: {  	s13 =	sshll.u32 s13, $0x8;
	s16 =	sxor.u32 $0x80000000, s31  }
0x124: {  	v14 =	vld [tilespmem:s30+$0xFFFFFFF0];
	s15 =	sor.u32 s13, s16  }
0x125: {  	v16 =	vld [tilespmem:s30+$0x20];
	v11 =	vshra.s32 v10, $0x10;
	v9 =	vmov s15  }
0x126: {  	v10 =	vshrl.u32 v10, $0x8;
	v13 =	vshra.s32 v12, $0x10;
	vm3 =	veq.s32 v11, v9  }
0x127: {  	v18 =	vld [tilespmem:s30+$0x30];
	v12 =	vshrl.u32 v12, $0x8;
	v17 =	vand.u32 $0xFF, v10;
	vm2 =	veq.s32 v13, v9  }
0x128: {  	v10 =	vld [tilespmem:s30+$0xFFFFFFD0];
	v13 =	vand.u32 $0xFF, v12;
	_ =	sdelay $0x1  }
0x129: {  	v19 =	vshra.s32 v16, $0x10;
	v11 =	vshrl.u32 v14, $0x8;
	v12 =	vshra.s32 v14, $0x10;
	v14 =	vld [tilespmem:s30+$0x10]  }
0x12a: {  	v15 =	vld [tilespmem:s30+$0x0];
	vm1 =	veq.s32 v19, v9;
	vm0 =	veq.s32 v12, v9;
	v12 =	vshrl.u32 v16, $0x8  }
0x12b: {  	s17 =	simm.s32 $0x20C0;
	s13 =	simm.s32 $0x0;
	v16 =	vshrl.u32 v18, $0x8;
	v12 =	vand.u32 $0xFF, v12;
	[tilespmem:v17+s9+$0x0] =	vst.idx.add.s32.msk vm3, v2;
	v17 =	vshra.s32 v18, $0x10  }
.LBB2_10:
0x12c: {  	s13 =	sadd.s32 $0x8, s13;
	v18 =	vshra.s32 v10, $0x10;
	[tilespmem:v13+s9+$0x0] =	vst.idx.add.s32.msk vm2, v2;
	vm3 =	veq.s32 v17, v9  }
0x12d: {  	v10 =	vshrl.u32 v10, $0x8;
	v13 =	vand.u32 $0xFF, v11;
	v17 =	vld [tilespmem:s17+$0xFFFFFFF0];
	p0 =	slt.u32 s13, $0x1F8;
	vm4 =	veq.s32 v18, v9  }
0x12e: {  	v16 =	vand.u32 $0xFF, v16;
	v19 =	vand.u32 $0xFF, v10;
	v18 =	vld [tilespmem:s17+$0xFFFFFFE0];
	v10 =	vshra.s32 v14, $0x10  }
0x12f: {  	v20 =	vld [tilespmem:s17+$0xFFFFFFC0];
	v11 =	vshra.s32 v15, $0x10;
	vm5 =	veq.s32 v10, v9;
	v10 =	vshrl.u32 v14, $0x8  }
0x130: {  	v21 =	vld [tilespmem:s17+$0x30];
	vm6 =	veq.s32 v11, v9;
	v11 =	vshrl.u32 v15, $0x8;
	v14 =	vand.u32 $0xFF, v10  }
0x131: {  	v22 =	vld [tilespmem:s17+$0x20];
	v15 =	vand.u32 $0xFF, v11  }
0x132: {  	v10 =	vld [tilespmem:s17+$0xFFFFFFD0];
	v11 =	vshrl.u32 v17, $0x8  }
0x133: {  	[tilespmem:v13+s9+$0x0] =	vst.idx.add.s32.msk vm0, v2  }
0x134: {  	v23 =	vshra.s32 v18, $0x10;
	v18 =	vshrl.u32 v18, $0x8;
	v13 =	vshra.s32 v20, $0x10;
	[tilespmem:v12+s9+$0x0] =	vst.idx.add.s32.msk vm1, v2  }
0x135: {  	v12 =	vshrl.u32 v20, $0x8;
	vm2 =	veq.s32 v23, v9;
	vm7 =	veq.s32 v13, v9;
	[tilespmem:v14+s9+$0x0] =	vst.idx.add.s32.msk vm5, v2  }
0x136: {  	v12 =	vand.u32 $0xFF, v12;
	v13 =	vand.u32 $0xFF, v18;
	[tilespmem:v15+s9+$0x0] =	vst.idx.add.s32.msk vm6, v2  }
.Ltmp4:
0x137: {  	v14 =	vshra.s32 v17, $0x10;
	[tilespmem:v16+s9+$0x0] =	vst.idx.add.s32.msk vm3, v2;
	(pc) =	sbr.rel @p0 .LBB2_10-.Ltmp4, $4  }
0x138: {  	vm0 =	veq.s32 v14, v9;
	[tilespmem:v19+s9+$0x0] =	vst.idx.add.s32.msk vm4, v2  }
0x139: {  	v16 =	vshra.s32 v22, $0x10;
	v14 =	vld [tilespmem:s17+$0x10]  }
0x13a: {  	vm1 =	veq.s32 v16, v9;
	v16 =	vshrl.u32 v22, $0x8;
	v15 =	vld [tilespmem:s17+$0x0]  }
0x13b: {  	s18 =	simm.s32 $0x4020;
	v17 =	vshra.s32 v21, $0x10;
	s17 =	sadd.s32 $0x80, s17;
	[tilespmem:v12+s9+$0x0] =	vst.idx.add.s32.msk vm7, v2;
	v12 =	vand.u32 $0xFF, v16;
	v16 =	vshrl.u32 v21, $0x8  }
0x13c: {  	_ =	sdelay $0x1  }
0x13d: {  	v11 =	vand.u32 $0xFF, v11;
	v18 =	vshra.s32 v14, $0x10  }
0x13e: {  	v14 =	vshrl.u32 v14, $0x8;
	vm3 =	veq.s32 v18, v9;
	v18 =	vshra.s32 v15, $0x10  }
0x13f: {  	v15 =	vshrl.u32 v15, $0x8;
	v14 =	vand.u32 $0xFF, v14;
	vm4 =	veq.s32 v18, v9  }
0x140: {  	vm5 =	veq.s32 v17, v9;
	v18 =	vshra.s32 v10, $0x10;
	v15 =	vand.u32 $0xFF, v15  }
0x141: {  	[tilespmem:v13+s9+$0x0] =	vst.idx.add.s32.msk vm2, v2;
	vm15 =	veq.s32 v18, v9;
	v9 =	vshrl.u32 v10, $0x8;
	v10 =	vand.u32 $0xFF, v16  }
0x142: {  	[tilespmem:v12+s9+$0x0] =	vst.idx.add.s32.msk vm1, v2;
	v9 =	vand.u32 $0xFF, v9  }
0x143: {  	[tilespmem:v11+s9+$0x0] =	vst.idx.add.s32.msk vm0, v2  }
0x144: {  	[tilespmem:v14+s9+$0x0] =	vst.idx.add.s32.msk vm3, v2  }
0x145: {  	[tilespmem:v15+s9+$0x0] =	vst.idx.add.s32.msk vm4, v2  }
0x146: {  	[tilespmem:v10+s9+$0x0] =	vst.idx.add.s32.msk vm5, v2  }
0x147: {  	[tilespmem:v9+s9+$0x0] =	vst.idx.add.s32.msk vm15, v2  }
0x148: {  	v9 =	vld [tilespmem:s18+$0x0]  }
0x149: {  	v10 =	vld [tilespmem:s18+$0xFFFFFFE0]  }
0x14a: {  	v11 =	vld [tilespmem:s18+$0xFFFFFFF0];
	_ =	sdelay $0x1  }
0x14b: {  	v12 =	vld [tilespmem:s18+$0x10]  }
0x14c: {  	v9 =	vperm.xlane v9, v3  }
0x14d: {  	s13 =	simm.s32 $0x4060;
	v10 =	vperm.xlane v10, v3  }
0x14e: {  	v13 =	vld [tilespmem:s13+$0xFFFFFFE0];
	(xrf0) =	vadd.scan.msk.s32 $0xffff, v9;
	v9 =	vperm.xlane v11, v3  }
0x14f: {  	s29 =	simm.s32 $0x2;
	(xrf0) =	vadd.scan.msk.s32 $0xffff, v10  }
0x150: {  	v10 =	vperm.xlane v12, v3;
	v12 =	vld [tilespmem:s13+$0x0];
	(xrf0) =	vadd.scan.msk.s32 $0xffff, v9;
	v9 =	vmov s29  }
0x151: {  	s17 =	simm.s32 $0x0;
	v15 =	vld [tilespmem:s13+$0xFFFFFFF0];
	v9 =	vand.u32 $0xFFFFFFFE, v9  }
0x152: {  	v16 =	vld [tilespmem:s13+$0x10];
	v11 =	vmov s17;
	(xrf0) =	vadd.scan.msk.s32 $0xffff, v10  }
0x153: {  	s30 =	simm.s32 $0x1;
	v18 =	vperm.xlane v13, v3;
	v10 =	vand.u32 $0xFFFFFFFC, v11  }
0x154: {  	v17 =	vmov s30;
	v11 =	vbroadcast v9, $0x0;
	v10 =	vbroadcast v10, $0x0;
	v9, _, _ =	vpop (xrf0)  }
0x155: {  	v12 =	vperm.xlane v12, v3;
	v14 =	vperm.xlane v9, v3;
	v9, _, _ =	vpop (xrf0)  }
0x156: {  	v15 =	vperm.xlane v15, v3;
	s17 =	simm.s32 $0x4120;
	v13 =	vperm.xlane v9, v3  }
0x157: {  	s31 =	simm.s32 $0x3;
	s20 =	simm.s32 $0x8;
	v16 =	vperm.xlane v16, v3;
	v9 =	vand.u32 $0xFFFFFFFD, v17;
	(xrf0) =	vadd.scan.msk.s32 $0xffff, v12;
	v17, _, _ =	vpop (xrf0);
	[tilespmem:s17+$0x0] =	vst v14  }
0x158: {  	s19 =	simm.s32 $0x40A0;
	s18 =	simm.s32 $0x4120;
	s13 =	simm.s32 $0x4;
	v12 =	vmov s31;
	v9 =	vbroadcast v9, $0x0;
	(xrf0) =	vadd.scan.msk.s32 $0xffff, v18;
	v18, _, _ =	vpop (xrf0);
	[tilespmem:s17+$0xFFFFFFE0] =	vst v13  }
.LBB2_12:
0x159: {  	s21 =	sadd.s32 $0x2, s13  }
0x15a: {  	v19 =	vld [tilespmem:s19+$0x0];
	v17 =	vperm.xlane v17, v3;
	[tilespmem:v11+s10+$0x0] =	vst.idx.msk $0x1, v14;
	s17 =	sadd.s32 $0x40, s17;
	s22 =	smov.u32 s20;
	s23 =	sadd.s32 $0x4, s20  }
0x15b: {  	p0 =	slt.u32 s20, $0xC;
	v20 =	vld [tilespmem:s19+$0xFFFFFFE0];
	v11 =	vmov s21;
	(xrf0) =	vadd.scan.msk.s32 $0xffff, v15;
	[tilespmem:v10+s10+$0x0] =	vst.idx.msk $0x1, v13;
	v13 =	vperm.xlane v18, v3  }
0x15c: {  	v10 =	vmov s13;
	v15 =	vld [tilespmem:s19+$0xFFFFFFF0];
	v11 =	vand.u32 $0xFFFFFFFE, v11;
	(xrf0) =	vadd.scan.msk.s32 $0xffff, v16;
	[tilespmem:s18+$0xFFFFFFF0] =	vst v17  }
0x15d: {  	v10 =	vand.u32 $0xFFFFFFFC, v10;
	v16 =	vld [tilespmem:s19+$0x10];
	v11 =	vbroadcast v11, $0x0;
	[tilespmem:s18+$0x10] =	vst v13;
	s18 =	smov.u32 s17  }
.Ltmp5:
0x15e: {  	s20 =	sadd.s32 $0x1, s13;
	v10 =	vbroadcast v10, $0x0;
	v14, _, _ =	vpop (xrf0);
	[tilespmem:v12+s10+$0x0] =	vst.idx.msk $0x1, v13;
	(pc) =	sbr.rel @p0 .LBB2_12-.Ltmp5, $4  }
0x15f: {  	v18 =	vmov s20;
	v12 =	vperm.xlane v19, v3;
	v14 =	vperm.xlane v14, v3;
	v13, _, _ =	vpop (xrf0);
	[tilespmem:v9+s10+$0x0] =	vst.idx.msk $0x1, v17  }
0x160: {  	v9 =	vand.u32 $0xFFFFFFFD, v18;
	v19 =	vperm.xlane v20, v3;
	v13 =	vperm.xlane v13, v3  }
0x161: {  	s20 =	sadd.s32 $0x3, s13;
	s13 =	smov.u32 s22;
	v9 =	vbroadcast v9, $0x0;
	v15 =	vperm.xlane v15, v3;
	(xrf0) =	vadd.scan.msk.s32 $0xffff, v12;
	[tilespmem:s17+$0x0] =	vst v14;
	v17, _, _ =	vpop (xrf0)  }
0x162: {  	s19 =	sadd.s32 $0x40, s19;
	v12 =	vmov s20;
	s20 =	smov.u32 s23;
	v16 =	vperm.xlane v16, v3;
	(xrf0) =	vadd.scan.msk.s32 $0xffff, v19;
	[tilespmem:s17+$0xFFFFFFE0] =	vst v13;
	v18, _, _ =	vpop (xrf0)  }
0x163: {  	_ =	sdelay $0x3  }
0x164: {  	[tilespmem:v11+s10+$0x0] =	vst.idx.msk $0x1, v14  }
0x165: {  	s19 =	sadd.s32 $0x2, s13;
	v11 =	vperm.xlane v17, v3;
	[tilespmem:v10+s10+$0x0] =	vst.idx.msk $0x1, v13;
	v13 =	vmov s13  }
0x166: {  	v10 =	vperm.xlane v18, v3;
	v14 =	vmov s19;
	v13 =	vand.u32 $0xFFFFFFFC, v13  }
0x167: {  	(xrf0) =	vadd.scan.msk.s32 $0xffff, v15;
	v14 =	vand.u32 $0xFFFFFFFE, v14  }
0x168: {  	v7 =	vsub.s32 v7, v8;
	(xrf0) =	vadd.scan.msk.s32 $0xffff, v16;
	[tilespmem:s18+$0xFFFFFFF0] =	vst v11;
	v14 =	vbroadcast v14, $0x0  }
0x169: {  	vm0 =	veq.s32 v6, s16;
	s23 =	sadd.s32 $0x1, s13;
	v6 =	vxor.u32 $0x80000000, v7;
	[tilespmem:s18+$0x10] =	vst v10;
	v8 =	vbroadcast v13, $0x0;
	v13, _, _ =	vpop (xrf0)  }
0x16a: {  	v6 =	vnsel vm0, $0x7FFFFFFF, v6;
	[tilespmem:v12+s10+$0x0] =	vst.idx.msk $0x1, v10;
	v12 =	vmov s23;
	v7 =	vperm.xlane v13, v3;
	v10, _, _ =	vpop (xrf0)  }
0x16b: {  	s17 =	sadd.s32 $0x40, s17;
	[tilespmem:v9+s10+$0x0] =	vst.idx.msk $0x1, v11;
	(xrf0) =	vmax.scan.msk.u32 $0xffff, v6;
	v6 =	vand.u32 $0xFFFFFFFD, v12;
	v9 =	vperm.xlane v10, v3  }
0x16c: {  	v6 =	vbroadcast v6, $0x0;
	[tilespmem:s17+$0x0] =	vst v7  }
0x16d: {  	s24 =	sadd.s32 $0x3, s13;
	v10, _, _ =	vpop (xrf0);
	[tilespmem:s17+$0xFFFFFFE0] =	vst v9  }
0x16e: {  	v11 =	vmov s24;
	v12, _, _ =	vpop (xrf0);
	v10 =	vperm.xlane v10, v3;
	[tilespmem:v14+s10+$0x0] =	vst.idx.msk $0x1, v7  }
0x16f: {  	[tilespmem:v8+s10+$0x0] =	vst.idx.msk $0x1, v9;
	v7 =	vperm.xlane v12, v3  }
0x170: {  	[tilespmem:s17+$0xFFFFFFF0] =	vst v10  }
0x171: {  	v8, _, _ =	vpop (xrf0);
	[tilespmem:s17+$0x10] =	vst v7  }
0x172: {  	(v2sf) =	vpush v8, $0xF;
	[tilespmem:v6+s10+$0x0] =	vst.idx.msk $0x1, v10  }
0x173: {  	[tilespmem:v11+s10+$0x0] =	vst.idx.msk $0x1, v7  }
0x174: {  	v6 =	vld [tilespmem:$0x4200];
	_ =	sdelay $0x4  }
0x175: {  	v7 =	vperm.xlane v6, v3;
	_ =	sdelay $0x1  }
0x176: {  	(xrf0) =	vadd.scan.msk.s32 $0xffff, v7;
	_ =	sdelay $0x5  }
0x177: {  	s25 =	spop (v2sf);
	v7, _, _ =	vpop (xrf0)  }
0x178: {  	s13 =	sxor.u32 $0x80000000, s25;
	v7 =	vperm.xlane v7, v3  }
0x179: {  	s14 =	ssub.s32 s14, s13  }
0x17a: {  	vm0 =	vlt.s32 v7, s14  }
0x17b: {  	v8 =	vsel vm0, $0x7FFFFFFF, v4  }
0x17c: {  	(xrf0) =	vmax.scan.msk.u32 $0xffff, v8;
	_ =	sdelay $0x5  }
0x17d: {  	v8, _, _ =	vpop (xrf0)  }
0x17e: {  	(v2sf) =	vpush v8, $0xF;
	_ =	sdelay $0xe  }
0x17f: {  	s26 =	spop (v2sf)  }
0x180: {  	s28 =	sxor.u32 $0x80000000, s26  }
0x181: {  	v6 =	vsub.s32 v7, v6;
	v7 =	vmov s28  }
0x182: {  	v6 =	vxor.u32 $0x80000000, v6;
	vm0 =	veq.s32 v7, v0  }
0x183: {  	v6 =	vnsel vm0, $0x0, v6  }
0x184: {  	(xrf0) =	vmax.scan.msk.u32 $0xffff, v6;
	_ =	sdelay $0x5  }
0x185: {  	v6, _, _ =	vpop (xrf0)  }
0x186: {  	(v2sf) =	vpush v6, $0xF;
	_ =	sdelay $0xa  }
0x187: {  	s16 =	sshll.u32 s26, $0x4  }
0x188: {  	v6 =	vld [tilespmem:s16+$0x4100];
	_ =	sdelay $0x2  }
0x189: {  	s29 =	spop (v2sf)  }
0x18a: {  	s17 =	sxor.u32 $0x80000000, s29  }
0x18b: {  	v7 =	vadd.s32 s17, v6;
	v6 =	vor.u32 s16, v0  }
0x18c: {  	vm0 =	vlt.s32 v7, s14;
	v8 =	vxor.u32 $0x80000000, v6  }
0x18d: {  	v8 =	vsel vm0, $0x7FFFFFFF, v8  }
0x18e: {  	(xrf0) =	vmax.scan.msk.u32 $0xffff, v8;
	_ =	sdelay $0x3  }
0x18f: {  	v8 =	vld [tilespmem:s16+$0x4000];
	[tilespmem:$0x4000] =	vst v1  }
0x190: {  	[tilespmem:$0x4010] =	vst v1  }
0x191: {  	[tilespmem:$0x4020] =	vst v1;
	v9, _, _ =	vpop (xrf0)  }
0x192: {  	[tilespmem:$0x4030] =	vst v1;
	(v2sf) =	vpush v9, $0xF  }
0x193: {  	[tilespmem:$0x4040] =	vst v1  }
0x194: {  	[tilespmem:$0x4050] =	vst v1  }
0x195: {  	[tilespmem:$0x4060] =	vst v1  }
0x196: {  	[tilespmem:$0x4070] =	vst v1  }
0x197: {  	[tilespmem:$0x4080] =	vst v1  }
0x198: {  	[tilespmem:$0x4090] =	vst v1  }
0x199: {  	[tilespmem:$0x40A0] =	vst v1  }
0x19a: {  	[tilespmem:$0x40B0] =	vst v1  }
0x19b: {  	[tilespmem:$0x40C0] =	vst v1  }
0x19c: {  	[tilespmem:$0x40D0] =	vst v1  }
0x19d: {  	[tilespmem:$0x40E0] =	vst v1  }
0x19e: {  	s30 =	simm.s32 $0x2040;
	[tilespmem:$0x40F0] =	vst v1  }
0x19f: {  	v10 =	vld [tilespmem:s30+$0x30]  }
0x1a0: {  	v11 =	vld [tilespmem:s30+$0xFFFFFFD0]  }
0x1a1: {  	v12 =	vld [tilespmem:s30+$0xFFFFFFE0];
	s31 =	spop (v2sf)  }
0x1a2: {  	s15 =	sshll.u32 s15, $0x8;
	v13 =	vld [tilespmem:s30+$0xFFFFFFF0];
	s16 =	sxor.u32 $0x80000000, s31  }
0x1a3: {  	s15 =	sor.u32 s15, s16  }
0x1a4: {  	v14 =	vshra.s32 v10, $0x8;
	v9 =	vmov s15  }
0x1a5: {  	v15 =	vld [tilespmem:s30+$0x0];
	v59 =	vshra.s32 v11, $0x8;
	vm1 =	veq.s32 v14, v9  }
0x1a6: {  	v60 =	vshra.s32 v12, $0x8;
	v10 =	vand.u32 $0xFF, v10;
	v14 =	vld [tilespmem:s30+$0x10];
	vm2 =	veq.s32 v59, v9  }
0x1a7: {  	v63 =	vld [tilespmem:s30+$0xFFFFFFC0];
	v61 =	vand.u32 $0xFF, v11;
	v11 =	vshra.s32 v13, $0x8;
	vm3 =	veq.s32 v60, v9  }
0x1a8: {  	v62 =	vld [tilespmem:s30+$0x20];
	v12 =	vand.u32 $0xFF, v12;
	vm4 =	veq.s32 v11, v9  }
0x1a9: {  	v19 =	vand.u32 $0xFF, v13  }
0x1aa: {  	v11 =	vshra.s32 v15, $0x8  }
0x1ab: {  	vm0 =	veq.s32 v11, v9;
	v11 =	vshra.s32 v14, $0x8;
	[tilespmem:v10+s9+$0x0] =	vst.idx.add.s32.msk vm1, v2  }
0x1ac: {  	v13 =	vand.u32 $0xFF, v63;
	v10 =	vand.u32 $0xFF, v15;
	vm1 =	veq.s32 v11, v9;
	[tilespmem:v61+s9+$0x0] =	vst.idx.add.s32.msk vm2, v2  }
0x1ad: {  	v11 =	vand.u32 $0xFF, v14;
	v14 =	vshra.s32 v62, $0x8;
	v15 =	vshra.s32 v63, $0x8;
	[tilespmem:v12+s9+$0x0] =	vst.idx.add.s32.msk vm3, v2  }
0x1ae: {  	s19 =	simm.s32 $0x20C0;
	s18 =	simm.s32 $0x0;
	v12 =	vand.u32 $0xFF, v62;
	[tilespmem:v19+s9+$0x0] =	vst.idx.add.s32.msk vm4, v2;
	vm2 =	veq.s32 v14, v9;
	vm3 =	veq.s32 v15, v9  }
.LBB2_14:
0x1af: {  	v14 =	vld [tilespmem:s19+$0x30];
	s18 =	sadd.s32 $0x8, s18  }
0x1b0: {  	v15 =	vld [tilespmem:s19+$0xFFFFFFD0];
	p0 =	slt.u32 s18, $0x1F8  }
0x1b1: {  	v16 =	vld [tilespmem:s19+$0xFFFFFFE0]  }
0x1b2: {  	v17 =	vld [tilespmem:s19+$0xFFFFFFF0]  }
0x1b3: {  	v18 =	vld [tilespmem:s19+$0x0]  }
0x1b4: {  	v19 =	vld [tilespmem:s19+$0x10];
	v20 =	vshra.s32 v14, $0x8  }
0x1b5: {  	v21 =	vshra.s32 v15, $0x8;
	v15 =	vand.u32 $0xFF, v15;
	v22 =	vld [tilespmem:s19+$0x20];
	vm5 =	veq.s32 v20, v9  }
0x1b6: {  	v14 =	vand.u32 $0xFF, v14;
	v20 =	vld [tilespmem:s19+$0xFFFFFFC0];
	vm4 =	veq.s32 v21, v9;
	v21 =	vshra.s32 v16, $0x8  }
0x1b7: {  	v16 =	vand.u32 $0xFF, v16;
	vm6 =	veq.s32 v21, v9;
	v21 =	vshra.s32 v17, $0x8;
	[tilespmem:v13+s9+$0x0] =	vst.idx.add.s32.msk vm3, v2  }
0x1b8: {  	v17 =	vand.u32 $0xFF, v17;
	vm7 =	veq.s32 v21, v9;
	v13 =	vshra.s32 v18, $0x8;
	[tilespmem:v10+s9+$0x0] =	vst.idx.add.s32.msk vm0, v2  }
0x1b9: {  	v10 =	vand.u32 $0xFF, v18;
	vm0 =	veq.s32 v13, v9;
	v13 =	vshra.s32 v19, $0x8;
	[tilespmem:v11+s9+$0x0] =	vst.idx.add.s32.msk vm1, v2  }
.Ltmp6:
0x1ba: {  	v11 =	vand.u32 $0xFF, v19;
	vm1 =	veq.s32 v13, v9;
	v18 =	vshra.s32 v22, $0x8;
	[tilespmem:v12+s9+$0x0] =	vst.idx.add.s32.msk vm2, v2;
	(pc) =	sbr.rel @p0 .LBB2_14-.Ltmp6, $4  }
0x1bb: {  	s20 =	simm.s32 $0x0;
	s17 =	simm.s32 $0x4120;
	s21 =	simm.s32 $0x4020;
	v12 =	vshra.s32 v20, $0x8;
	v13 =	vand.u32 $0xFF, v20;
	vm2 =	veq.s32 v18, v9;
	[tilespmem:v14+s9+$0x0] =	vst.idx.add.s32.msk vm5, v2  }
0x1bc: {  	vm3 =	veq.s32 v12, v9;
	[tilespmem:v15+s9+$0x0] =	vst.idx.add.s32.msk vm4, v2;
	v12 =	vand.u32 $0xFF, v22  }
0x1bd: {  	[tilespmem:v16+s9+$0x0] =	vst.idx.add.s32.msk vm6, v2  }
0x1be: {  	s19 =	sadd.s32 $0x80, s19;
	[tilespmem:v17+s9+$0x0] =	vst.idx.add.s32.msk vm7, v2  }
0x1bf: {  	_ =	sdelay $0x4  }
0x1c0: {  	[tilespmem:v13+s9+$0x0] =	vst.idx.add.s32.msk vm3, v2  }
0x1c1: {  	[tilespmem:v10+s9+$0x0] =	vst.idx.add.s32.msk vm0, v2  }
0x1c2: {  	[tilespmem:v11+s9+$0x0] =	vst.idx.add.s32.msk vm1, v2  }
0x1c3: {  	[tilespmem:v12+s9+$0x0] =	vst.idx.add.s32.msk vm2, v2  }
0x1c4: {  	v9 =	vld [tilespmem:s21+$0x0]  }
0x1c5: {  	v10 =	vld [tilespmem:s21+$0xFFFFFFE0]  }
0x1c6: {  	v11 =	vld [tilespmem:s21+$0xFFFFFFF0];
	_ =	sdelay $0x1  }
0x1c7: {  	v12 =	vld [tilespmem:s21+$0x10]  }
0x1c8: {  	v9 =	vperm.xlane v9, v3  }
0x1c9: {  	s18 =	simm.s32 $0x4060;
	v10 =	vperm.xlane v10, v3  }
0x1ca: {  	v13 =	vld [tilespmem:s18+$0xFFFFFFE0];
	(xrf0) =	vadd.scan.msk.s32 $0xffff, v9;
	v9 =	vperm.xlane v11, v3  }
0x1cb: {  	s19 =	simm.s32 $0x2;
	(xrf0) =	vadd.scan.msk.s32 $0xffff, v10  }
0x1cc: {  	v10 =	vperm.xlane v12, v3;
	v12 =	vld [tilespmem:s18+$0x0];
	(xrf0) =	vadd.scan.msk.s32 $0xffff, v9;
	v9 =	vmov s19  }
0x1cd: {  	v15 =	vld [tilespmem:s18+$0xFFFFFFF0];
	v9 =	vand.u32 $0xFFFFFFFE, v9  }
0x1ce: {  	v16 =	vld [tilespmem:s18+$0x10];
	v11 =	vmov s20;
	(xrf0) =	vadd.scan.msk.s32 $0xffff, v10  }
0x1cf: {  	s30 =	simm.s32 $0x1;
	v18 =	vperm.xlane v13, v3;
	v10 =	vand.u32 $0xFFFFFFFC, v11  }
0x1d0: {  	v17 =	vmov s30;
	v11 =	vbroadcast v9, $0x0;
	v10 =	vbroadcast v10, $0x0;
	v9, _, _ =	vpop (xrf0)  }
0x1d1: {  	v12 =	vperm.xlane v12, v3;
	v14 =	vperm.xlane v9, v3;
	v9, _, _ =	vpop (xrf0)  }
0x1d2: {  	v15 =	vperm.xlane v15, v3;
	v13 =	vperm.xlane v9, v3  }
0x1d3: {  	s31 =	simm.s32 $0x3;
	s21 =	simm.s32 $0x8;
	v16 =	vperm.xlane v16, v3;
	v9 =	vand.u32 $0xFFFFFFFD, v17;
	(xrf0) =	vadd.scan.msk.s32 $0xffff, v12;
	v17, _, _ =	vpop (xrf0);
	[tilespmem:s17+$0x0] =	vst v14  }
0x1d4: {  	s20 =	simm.s32 $0x40A0;
	s18 =	simm.s32 $0x4;
	s19 =	simm.s32 $0x4120;
	v12 =	vmov s31;
	v9 =	vbroadcast v9, $0x0;
	(xrf0) =	vadd.scan.msk.s32 $0xffff, v18;
	v18, _, _ =	vpop (xrf0);
	[tilespmem:s17+$0xFFFFFFE0] =	vst v13  }
.LBB2_16:
0x1d5: {  	s22 =	sadd.s32 $0x2, s18  }
0x1d6: {  	v19 =	vld [tilespmem:s20+$0x0];
	v17 =	vperm.xlane v17, v3;
	[tilespmem:v11+s10+$0x0] =	vst.idx.msk $0x1, v14;
	s17 =	sadd.s32 $0x40, s17;
	s23 =	smov.u32 s21;
	s24 =	sadd.s32 $0x4, s21  }
0x1d7: {  	p0 =	slt.u32 s21, $0xC;
	v20 =	vld [tilespmem:s20+$0xFFFFFFE0];
	v11 =	vmov s22;
	(xrf0) =	vadd.scan.msk.s32 $0xffff, v15;
	[tilespmem:v10+s10+$0x0] =	vst.idx.msk $0x1, v13;
	v13 =	vperm.xlane v18, v3  }
0x1d8: {  	v10 =	vmov s18;
	v15 =	vld [tilespmem:s20+$0xFFFFFFF0];
	v11 =	vand.u32 $0xFFFFFFFE, v11;
	(xrf0) =	vadd.scan.msk.s32 $0xffff, v16;
	[tilespmem:s19+$0xFFFFFFF0] =	vst v17  }
0x1d9: {  	v10 =	vand.u32 $0xFFFFFFFC, v10;
	v16 =	vld [tilespmem:s20+$0x10];
	v11 =	vbroadcast v11, $0x0;
	[tilespmem:s19+$0x10] =	vst v13;
	s19 =	smov.u32 s17  }
.Ltmp7:
0x1da: {  	s21 =	sadd.s32 $0x1, s18;
	v10 =	vbroadcast v10, $0x0;
	v14, _, _ =	vpop (xrf0);
	[tilespmem:v12+s10+$0x0] =	vst.idx.msk $0x1, v13;
	(pc) =	sbr.rel @p0 .LBB2_16-.Ltmp7, $4  }
0x1db: {  	v18 =	vmov s21;
	v12 =	vperm.xlane v19, v3;
	v14 =	vperm.xlane v14, v3;
	v13, _, _ =	vpop (xrf0);
	[tilespmem:v9+s10+$0x0] =	vst.idx.msk $0x1, v17  }
0x1dc: {  	v9 =	vand.u32 $0xFFFFFFFD, v18;
	v19 =	vperm.xlane v20, v3;
	v13 =	vperm.xlane v13, v3  }
0x1dd: {  	s21 =	sadd.s32 $0x3, s18;
	s18 =	smov.u32 s23;
	v9 =	vbroadcast v9, $0x0;
	v15 =	vperm.xlane v15, v3;
	(xrf0) =	vadd.scan.msk.s32 $0xffff, v12;
	[tilespmem:s17+$0x0] =	vst v14;
	v17, _, _ =	vpop (xrf0)  }
0x1de: {  	s20 =	sadd.s32 $0x40, s20;
	v12 =	vmov s21;
	s21 =	smov.u32 s24;
	v16 =	vperm.xlane v16, v3;
	(xrf0) =	vadd.scan.msk.s32 $0xffff, v19;
	[tilespmem:s17+$0xFFFFFFE0] =	vst v13;
	v18, _, _ =	vpop (xrf0)  }
0x1df: {  	_ =	sdelay $0x3  }
0x1e0: {  	[tilespmem:v11+s10+$0x0] =	vst.idx.msk $0x1, v14  }
0x1e1: {  	s20 =	sadd.s32 $0x2, s18;
	v11 =	vperm.xlane v17, v3;
	[tilespmem:v10+s10+$0x0] =	vst.idx.msk $0x1, v13;
	v13 =	vmov s18  }
0x1e2: {  	v10 =	vperm.xlane v18, v3;
	v14 =	vmov s20;
	v13 =	vand.u32 $0xFFFFFFFC, v13  }
0x1e3: {  	(xrf0) =	vadd.scan.msk.s32 $0xffff, v15;
	v14 =	vand.u32 $0xFFFFFFFE, v14  }
0x1e4: {  	v7 =	vsub.s32 v7, v8;
	(xrf0) =	vadd.scan.msk.s32 $0xffff, v16;
	[tilespmem:s19+$0xFFFFFFF0] =	vst v11;
	v14 =	vbroadcast v14, $0x0  }
0x1e5: {  	vm0 =	veq.s32 v6, s16;
	s21 =	sadd.s32 $0x1, s18;
	v6 =	vxor.u32 $0x80000000, v7;
	[tilespmem:s19+$0x10] =	vst v10;
	v8 =	vbroadcast v13, $0x0;
	v13, _, _ =	vpop (xrf0)  }
0x1e6: {  	v6 =	vnsel vm0, $0x7FFFFFFF, v6;
	[tilespmem:v12+s10+$0x0] =	vst.idx.msk $0x1, v10;
	v12 =	vmov s21;
	v7 =	vperm.xlane v13, v3;
	v10, _, _ =	vpop (xrf0)  }
0x1e7: {  	s17 =	sadd.s32 $0x40, s17;
	[tilespmem:v9+s10+$0x0] =	vst.idx.msk $0x1, v11;
	(xrf0) =	vmax.scan.msk.u32 $0xffff, v6;
	v6 =	vand.u32 $0xFFFFFFFD, v12;
	v9 =	vperm.xlane v10, v3  }
0x1e8: {  	v6 =	vbroadcast v6, $0x0;
	[tilespmem:s17+$0x0] =	vst v7  }
0x1e9: {  	s22 =	sadd.s32 $0x3, s18;
	v10, _, _ =	vpop (xrf0);
	[tilespmem:s17+$0xFFFFFFE0] =	vst v9  }
0x1ea: {  	v11 =	vmov s22;
	v12, _, _ =	vpop (xrf0);
	v10 =	vperm.xlane v10, v3;
	[tilespmem:v14+s10+$0x0] =	vst.idx.msk $0x1, v7  }
0x1eb: {  	[tilespmem:v8+s10+$0x0] =	vst.idx.msk $0x1, v9;
	v7 =	vperm.xlane v12, v3  }
0x1ec: {  	[tilespmem:s17+$0xFFFFFFF0] =	vst v10  }
0x1ed: {  	v8, _, _ =	vpop (xrf0);
	[tilespmem:s17+$0x10] =	vst v7  }
0x1ee: {  	(v2sf) =	vpush v8, $0xF;
	[tilespmem:v6+s10+$0x0] =	vst.idx.msk $0x1, v10  }
0x1ef: {  	[tilespmem:v11+s10+$0x0] =	vst.idx.msk $0x1, v7  }
0x1f0: {  	v6 =	vld [tilespmem:$0x4200];
	_ =	sdelay $0x4  }
0x1f1: {  	v7 =	vperm.xlane v6, v3;
	_ =	sdelay $0x1  }
0x1f2: {  	(xrf0) =	vadd.scan.msk.s32 $0xffff, v7;
	_ =	sdelay $0x5  }
0x1f3: {  	s23 =	spop (v2sf);
	v7, _, _ =	vpop (xrf0)  }
0x1f4: {  	s16 =	sxor.u32 $0x80000000, s23;
	v7 =	vperm.xlane v7, v3  }
0x1f5: {  	s14 =	ssub.s32 s14, s16  }
0x1f6: {  	vm0 =	vlt.s32 v7, s14  }
0x1f7: {  	v8 =	vsel vm0, $0x7FFFFFFF, v4  }
0x1f8: {  	(xrf0) =	vmax.scan.msk.u32 $0xffff, v8;
	_ =	sdelay $0x5  }
0x1f9: {  	v8, _, _ =	vpop (xrf0)  }
0x1fa: {  	(v2sf) =	vpush v8, $0xF;
	_ =	sdelay $0xe  }
0x1fb: {  	s24 =	spop (v2sf)  }
0x1fc: {  	s25 =	sxor.u32 $0x80000000, s24  }
0x1fd: {  	v6 =	vsub.s32 v7, v6;
	v7 =	vmov s25  }
0x1fe: {  	v6 =	vxor.u32 $0x80000000, v6;
	vm0 =	veq.s32 v7, v0  }
0x1ff: {  	v6 =	vnsel vm0, $0x0, v6  }
0x200: {  	(xrf0) =	vmax.scan.msk.u32 $0xffff, v6;
	_ =	sdelay $0x5  }
0x201: {  	v6, _, _ =	vpop (xrf0)  }
0x202: {  	(v2sf) =	vpush v6, $0xF;
	_ =	sdelay $0xa  }
0x203: {  	s26 =	sshll.u32 s24, $0x4  }
0x204: {  	v6 =	vld [tilespmem:s26+$0x4100];
	_ =	sdelay $0x2  }
0x205: {  	s28 =	spop (v2sf)  }
0x206: {  	s17 =	sxor.u32 $0x80000000, s28  }
0x207: {  	v7 =	vor.u32 s26, v0;
	v8 =	vadd.s32 s17, v6  }
0x208: {  	v6 =	vxor.u32 $0x80000000, v7;
	vm0 =	vlt.s32 v8, s14  }
0x209: {  	v6 =	vsel vm0, $0x7FFFFFFF, v6  }
0x20a: {  	(xrf0) =	vmax.scan.msk.u32 $0xffff, v6;
	_ =	sdelay $0x5  }
0x20b: {  	v6, _, _ =	vpop (xrf0)  }
0x20c: {  	(v2sf) =	vpush v6, $0xF;
	_ =	sdelay $0xb  }
0x20d: {  	s29 =	simm.s32 $0x2040  }
0x20e: {  	v9 =	vld [tilespmem:s29+$0xFFFFFFC0];
	_ =	sdelay $0x1  }
0x20f: {  	s30 =	spop (v2sf)  }
0x210: {  	s31 =	sshll.u32 s15, $0x8;
	v10 =	vld [tilespmem:s29+$0xFFFFFFD0];
	s17 =	sxor.u32 $0x80000000, s30  }
0x211: {  	v11 =	vimm.s32 $0x80000000;
	s14 =	sor.u32 s31, s17  }
0x212: {  	vm0 =	vgt.s32 v11, v9;
	v6 =	vmov s14  }
0x213: {  	v12 =	vld [tilespmem:s29+$0xFFFFFFE0];
	vm1 =	vlt.s32 v9, v6;
	v9 =	vsel vm0, v11, v9  }
0x214: {  	v9 =	vsel vm1, v9, v11  }
0x215: {  	vm0 =	vgt.s32 v9, v10  }
0x216: {  	vm1 =	vlt.s32 v10, v6;
	v11 =	vld [tilespmem:s29+$0xFFFFFFF0];
	v10 =	vsel vm0, v9, v10  }
0x217: {  	v9 =	vsel vm1, v10, v9  }
0x218: {  	vm0 =	vgt.s32 v9, v12  }
0x219: {  	vm1 =	vlt.s32 v12, v6;
	v10 =	vsel vm0, v9, v12;
	v12 =	vld [tilespmem:s29+$0x0]  }
0x21a: {  	v9 =	vsel vm1, v10, v9  }
0x21b: {  	vm0 =	vgt.s32 v9, v11  }
0x21c: {  	vm1 =	vlt.s32 v11, v6;
	v10 =	vsel vm0, v9, v11;
	v11 =	vld [tilespmem:s29+$0x10]  }
0x21d: {  	v9 =	vsel vm1, v10, v9  }
0x21e: {  	vm0 =	vgt.s32 v9, v12  }
0x21f: {  	vm1 =	vlt.s32 v12, v6;
	v12 =	vsel vm0, v9, v12  }
0x220: {  	v10 =	vld [tilespmem:s29+$0x20];
	v12 =	vsel vm1, v12, v9  }
0x221: {  	vm0 =	vgt.s32 v12, v11  }
0x222: {  	vm1 =	vlt.s32 v11, v6;
	v11 =	vsel vm0, v12, v11  }
0x223: {  	v12 =	vsel vm1, v11, v12;
	v11 =	vld [tilespmem:s29+$0x30];
	_ =	sdelay $0x1  }
0x224: {  	s15 =	simm.s32 $0x0;
	s18 =	simm.s32 $0x20C0;
	v9 =	vld [tilespmem:s26+$0x4000];
	vm0 =	vgt.s32 v12, v10  }
.LBB2_18:
0x225: {  	v13 =	vld [tilespmem:s18+$0xFFFFFFC0];
	s15 =	sadd.s32 $0x8, s15;
	vm1 =	vlt.s32 v10, v6;
	v10 =	vsel vm0, v12, v10  }
0x226: {  	p0 =	slt.u32 s15, $0x1F8;
	v10 =	vsel vm1, v10, v12  }
0x227: {  	vm0 =	vgt.s32 v10, v11  }
0x228: {  	vm1 =	vlt.s32 v11, v6;
	v12 =	vld [tilespmem:s18+$0xFFFFFFD0];
	v11 =	vsel vm0, v10, v11  }
0x229: {  	v10 =	vsel vm1, v11, v10  }
0x22a: {  	vm0 =	vgt.s32 v10, v13  }
0x22b: {  	vm1 =	vlt.s32 v13, v6;
	v11 =	vsel vm0, v10, v13;
	v13 =	vld [tilespmem:s18+$0xFFFFFFE0]  }
0x22c: {  	v10 =	vsel vm1, v11, v10  }
0x22d: {  	vm0 =	vgt.s32 v10, v12  }
0x22e: {  	vm1 =	vlt.s32 v12, v6;
	v11 =	vsel vm0, v10, v12;
	v12 =	vld [tilespmem:s18+$0xFFFFFFF0]  }
0x22f: {  	v10 =	vsel vm1, v11, v10  }
0x230: {  	vm0 =	vgt.s32 v10, v13  }
0x231: {  	vm1 =	vlt.s32 v13, v6;
	v11 =	vsel vm0, v10, v13;
	v13 =	vld [tilespmem:s18+$0x0]  }
0x232: {  	v10 =	vsel vm1, v11, v10  }
0x233: {  	vm0 =	vgt.s32 v10, v12  }
0x234: {  	vm1 =	vlt.s32 v12, v6;
	v11 =	vsel vm0, v10, v12;
	v12 =	vld [tilespmem:s18+$0x10]  }
0x235: {  	v11 =	vsel vm1, v11, v10  }
0x236: {  	vm0 =	vgt.s32 v11, v13  }
0x237: {  	vm1 =	vlt.s32 v13, v6;
	v13 =	vsel vm0, v11, v13;
	v10 =	vld [tilespmem:s18+$0x20]  }
.Ltmp8:
0x238: {  	v13 =	vsel vm1, v13, v11;
	(pc) =	sbr.rel @p0 .LBB2_18-.Ltmp8, $4  }
0x239: {  	vm0 =	vgt.s32 v13, v12  }
0x23a: {  	vm1 =	vlt.s32 v12, v6;
	v12 =	vsel vm0, v13, v12;
	v11 =	vld [tilespmem:s18+$0x30]  }
0x23b: {  	v12 =	vsel vm1, v12, v13  }
0x23c: {  	s18 =	sadd.s32 $0x80, s18;
	vm0 =	vgt.s32 v12, v10  }
0x23d: {  	vm1 =	vlt.s32 v10, v6;
	v10 =	vsel vm0, v12, v10  }
0x23e: {  	v10 =	vsel vm1, v10, v12  }
0x23f: {  	v8 =	vsub.s32 v8, v9;
	vm0 =	vgt.s32 v10, v11  }
0x240: {  	v12 =	vsel vm0, v10, v11;
	vm0 =	veq.s32 v7, s17;
	v7 =	vxor.u32 $0x80000000, v8  }
0x241: {  	vm1 =	vlt.s32 v11, v6;
	v8 =	vxor.u32 $0x80000000, v9;
	v7 =	vnsel vm0, $0x7FFFFFFF, v7  }
0x242: {  	v9 =	vsel vm1, v12, v10;
	(xrf0) =	vmax.scan.msk.u32 $0xffff, v7;
	v7 =	vnsel vm0, $0x7FFFFFFF, v8  }
0x243: {  	(xrf0) =	vmax.scan.msk.u32 $0xffff, v7;
	v7 =	vxor.u32 $0x80000000, v9  }
0x244: {  	(xrf0) =	vmax.scan.msk.u32 $0xffff, v7;
	_ =	sdelay $0x3  }
0x245: {  	v7, _, _ =	vpop (xrf0)  }
0x246: {  	v8, _, _ =	vpop (xrf0);
	(v2sf) =	vpush v7, $0xF  }
0x247: {  	(v2sf) =	vpush v8, $0xF;
	v7, _, _ =	vpop (xrf0)  }
0x248: {  	(v2sf) =	vpush v7, $0xF;
	_ =	sdelay $0xb  }
0x249: {  	s12 =	sadd.s32 s12, s13  }
0x24a: {  	s12 =	sadd.s32 s16, s12;
	s29 =	spop (v2sf)  }
0x24b: {  	s15 =	spop (v2sf);
	s12 =	sadd.s32 s29, s12  }
0x24c: {  	s12 =	sadd.s32 s15, s12;
	s30 =	spop (v2sf)  }
0x24d: {  	p0 =	sgt.s32 s12, $0x19A;
	s12 =	sxor.u32 $0x80000000, s30  }
0x24e: {  	s12 =	smov.u32 @p0 s14  }
0x24f: {  	vm0 =	vlt.s32 v6, $0x0;
	v7 =	vmov s12  }
0x250: {  	v8 =	vxor.u32 $0x7FFFFFFF, v6;
	vm1 =	vlt.s32 v7, $0x0;
	v7 =	vxor.u32 $0x7FFFFFFF, v7  }
0x251: {  	v6 =	vsel vm0, v8, v6;
	v7 =	vnsel vm1, s12, v7  }
0x252: {  	s31 =	simm.s32 $0x2040;
	v6 =	vadd.f32 v7, v6  }
0x253: {  	v9 =	vld [tilespmem:s31+$0x30]  }
0x254: {  	v11 =	vld [tilespmem:s31+$0xFFFFFFD0];
	v6 =	vmul.f32 $5.000000000e-01, v6  }
0x255: {  	v13 =	vld [tilespmem:s31+$0xFFFFFFE0]  }
0x256: {  	v10 =	vld [tilespmem:s31+$0xFFFFFFF0];
	vm0 =	vlt.s32 v6, $0x0;
	v7 =	vxor.u32 $0x7FFFFFFF, v6  }
0x257: {  	v8 =	vld [tilespmem:s31+$0x0];
	v6 =	vsel vm0, v7, v6  }
0x258: {  	v7 =	vld [tilespmem:s31+$0x10];
	vm0 =	vgt.s32 v9, v6  }
0x259: {  	s12 =	simm.s32 $0x40;
	vm1 =	vgt.s32 v11, v6;
	v9 =	vld [tilespmem:s31+$0x20];
	v14 =	vsel vm0, $0x3F800000, v5  }
0x25a: {  	s13 =	simm.s32 $0x0;
	s14 =	simm.s32 $0x20C0;
	v11 =	vld [tilespmem:s31+$0xFFFFFFC0];
	v12 =	vsel vm1, $0x3F800000, v5;
	vm0 =	vgt.s32 v13, v6;
	[tilespmem:s12+$0x30] =	vst v14  }
.LBB2_20:
0x25b: {  	v13 =	vld [tilespmem:s14+$0x30];
	s13 =	sadd.s32 $0x8, s13;
	[tilespmem:s12+$0xFFFFFFD0] =	vst v12;
	v12 =	vsel vm0, $0x3F800000, v5;
	vm0 =	vgt.s32 v10, v6  }
0x25c: {  	v14 =	vld [tilespmem:s14+$0xFFFFFFD0];
	p0 =	slt.u32 s13, $0x1F8;
	[tilespmem:s12+$0xFFFFFFE0] =	vst v12;
	v10 =	vsel vm0, $0x3F800000, v5;
	vm0 =	vgt.s32 v8, v6  }
0x25d: {  	v15 =	vld [tilespmem:s14+$0xFFFFFFE0];
	[tilespmem:s12+$0xFFFFFFF0] =	vst v10;
	v8 =	vsel vm0, $0x3F800000, v5;
	vm0 =	vgt.s32 v7, v6  }
.Ltmp9:
0x25e: {  	v10 =	vld [tilespmem:s14+$0xFFFFFFF0];
	[tilespmem:s12+$0x0] =	vst v8;
	v7 =	vsel vm0, $0x3F800000, v5;
	vm0 =	vgt.s32 v9, v6;
	(pc) =	sbr.rel @p0 .LBB2_20-.Ltmp9, $4  }
0x25f: {  	v8 =	vld [tilespmem:s14+$0x0];
	vm1 =	vgt.s32 v11, v6;
	[tilespmem:s12+$0x10] =	vst v7;
	v9 =	vsel vm0, $0x3F800000, v5  }
0x260: {  	v7 =	vld [tilespmem:s14+$0x10];
	vm0 =	vgt.s32 v13, v6;
	v11 =	vsel vm1, $0x3F800000, v5;
	[tilespmem:s12+$0x20] =	vst v9  }
0x261: {  	vm1 =	vgt.s32 v14, v6;
	v9 =	vld [tilespmem:s14+$0x20];
	v13 =	vsel vm0, $0x3F800000, v5;
	[tilespmem:s12+$0xFFFFFFC0] =	vst v11;
	s12 =	sadd.s32 $0x80, s12  }
0x262: {  	v11 =	vld [tilespmem:s14+$0xFFFFFFC0];
	v12 =	vsel vm1, $0x3F800000, v5;
	vm0 =	vgt.s32 v15, v6;
	[tilespmem:s12+$0x30] =	vst v13;
	s14 =	sadd.s32 $0x80, s14  }
0x263: {  	[tilespmem:s12+$0xFFFFFFD0] =	vst v12;
	v63 =	vsel vm0, $0x3F800000, v5;
	vm12 =	vgt.s32 v10, v6  }
0x264: {  	[tilespmem:s12+$0xFFFFFFE0] =	vst v63;
	v10 =	vsel vm12, $0x3F800000, v5;
	vm13 =	vgt.s32 v8, v6  }
0x265: {  	[tilespmem:s12+$0xFFFFFFF0] =	vst v10;
	v8 =	vsel vm13, $0x3F800000, v5;
	vm14 =	vgt.s32 v7, v6  }
0x266: {  	[tilespmem:s12+$0x0] =	vst v8;
	v7 =	vsel vm14, $0x3F800000, v5;
	vm15 =	vgt.s32 v9, v6  }
0x267: {  	s11 =	sadd.s32 $0x1, s11;
	vm1 =	vgt.s32 v11, v6;
	[tilespmem:s12+$0x10] =	vst v7;
	v6 =	vsel vm15, $0x3F800000, v5  }
0x268: {  	p0 =	sne.s32 s11, s5;
	v7 =	vsel vm1, $0x3F800000, v5;
	[tilespmem:s12+$0x20] =	vst v6  }
.Ltmp10:
0x269: {  	[tilespmem:s12+$0xFFFFFFC0] =	vst v7;
	(pc) =	sbr.rel @p0 .LBB2_1-.Ltmp10, $4  }
0x26a: {  	[hbm4b:s4+s6] =	stream.strided.scatter [tilespmem:s2], [sflag:$0x1], $0x2000, s7, s6, $0x38;
	[tilespmem:$0x4280] =	vst v63  }
0x26b: {  	_ =	swait.ge [sflag:s8], $0x2000  }
0x26c: {  	[sflag:s8] =	ssyncset.done $0x0  }
0x26d: {  	[sflag:s8] =	ssyncadd.s32 $0xFFFFE000  }
0x26e: {  	_ =	sfence.sel $0x180000  }
0x26f: {  	[bflag:$0x0] =	sbarrier.arrive $0xFFFF  }
0x270: {  	p0 =	sne.s32 s1, $0x0;
	_ =	strace $0x90000047  }
0x271: {  	s0 =	sadd.s32 @!p0 $0x100000, s0;
	[bflag:$0x2] =	sbarrier.arrive $0xFFFF  }
0x272: {  	[sflag:s0] =	ssyncadd.tile.s32 @!p0 $0x1;
	_ =	shalt  }
.Lfunc_end2:
_tile_overlayer_lowered:
.L_overlay_start_2:
0x273: {  	(tag) =	ssettag $0x2  }
0x274: {  	s0 =	rddreg [dreg:$0x0];
	s2 =	stileid.u32  }
0x275: {  	s1 =	rddreg [dreg:$0x1];
	p0 =	sne.s32 s2, $0x0  }
0x276: {  	s3 =	rddreg [dreg:$0x2];
	[bflag:$0x3] =	sbarrier.arrive $0xFFFF;
	s2 =	simm.s32 @!p0 $0x1C01  }
0x277: {  	[timem:s3], [sflag:s2] =	dma.local @!p0 [hbm:s0], s1  }
0x278: {  	s0 =	simm.s32 @!p0 $0x1  }
0x279: {  	_ =	swait.ge @!p0 [sflag:s0], s1  }
0x27a: {  	s1 =	ssub.s32 @!p0 $0x0, s1;
	[sflag:s0] =	ssyncset.done @!p0 $0x0  }
0x27b: {  	[sflag:s0] =	ssyncadd.s32 @!p0 s1  }
0x27c: {  	[bflag:$0x3] =	sbarrier.arrive $0xFFFF  }
0x27d: {  	_ =	shalt  }

</sc_bundles>
